<compile_context>
chip_gen: v7x
topology: tpu7x:2x2x1
jax: 0.10.2.dev20260603
libtpu: 0.0.44.dev20260713+nightly
codegen_flags: <defaults>
</compile_context>

<pallas_src>
import jax
import jax.numpy as jnp
from jax.experimental import pallas as pl
from jax.experimental.pallas import tpu as pltpu

_TREE = 100
_PAD = 104
_H = 32
_D = 128
_TB = 40
_LEVELS = [(50, 50), (25, 25), (12, 13), (6, 6), (3, 3), (1, 2), (0, 1)]


def _bdot(a, b):
    return jnp.dot(a.astype(jnp.bfloat16), b,
                   preferred_element_type=jnp.float32)


def _block_kernel(x_ref, w_ref, b_ref, uiou_ref, uf_ref,
                  l0w_ref, l0b_ref, l1w_ref, l1b_ref, ow_ref, ob_ref,
                  out_ref, h_scr, c_scr):
    tb = h_scr.shape[1]
    proj = _bdot(x_ref[...].reshape(_TREE * tb, _D), w_ref[...]) + b_ref[...]
    proj = proj.reshape(_TREE, tb, 4 * _H)

    h_scr[_TREE:, :, :] = jnp.zeros((_PAD - _TREE, tb, _H), jnp.float32)
    c_scr[_TREE:, :, :] = jnp.zeros((_PAD - _TREE, tb, _H), jnp.float32)

    for it, (a, p) in enumerate(_LEVELS):
        iou = proj[a:a + p, :, :3 * _H]
        if it > 0:
            ca = 2 * a + 1
            ch = h_scr[ca:ca + 2 * p, :, :]
            cc = c_scr[ca:ca + 2 * p, :, :]
            h_sum = ch.reshape(p, 2, tb, _H).sum(axis=1)
            iou = iou + _bdot(h_sum.reshape(p * tb, _H),
                              uiou_ref[...]).reshape(p, tb, 3 * _H)
        ig = jax.nn.sigmoid(iou[:, :, :_H])
        og = jax.nn.sigmoid(iou[:, :, _H:2 * _H])
        ug = jnp.tanh(iou[:, :, 2 * _H:])
        c_new = ig * ug
        if it > 0:
            fh = _bdot(ch.reshape(2 * p * tb, _H), uf_ref[...])
            f = jax.nn.sigmoid(proj[a:a + p, :, 3 * _H:][:, None, :, :]
                               + fh.reshape(p, 2, tb, _H))
            c_new = c_new + (f * cc.reshape(p, 2, tb, _H)).sum(axis=1)
        h_new = og * jnp.tanh(c_new)
        c_scr[a:a + p, :, :] = c_new
        h_scr[a:a + p, :, :] = h_new

    y = jax.nn.relu(jnp.sum(h_scr[:_TREE, :, :], axis=0) * (1.0 / _TREE))
    y = jax.nn.relu(_bdot(y, l0w_ref[...]) + l0b_ref[...])
    y = jax.nn.relu(_bdot(y, l1w_ref[...]) + l1b_ref[...])
    yb = y.astype(jnp.bfloat16).astype(jnp.float32)
    yv = jnp.sum(yb * ow_ref[...].astype(jnp.float32),
                 axis=1, keepdims=True) + ob_ref[...]
    out_ref[pl.ds(pl.program_id(0) * tb, tb), :] = yv


@jax.jit
def kernel(features, node_order, adjacency_list, edge_order, tree_sizes,
           W_iou_w, W_iou_b, U_iou_w, W_f_w, W_f_b, U_f_w,
           lin0_w, lin0_b, lin1_w, lin1_b, out_w, out_b):
    n_trees = tree_sizes.shape[0]
    grid = n_trees // _TB
    x_nm = features.reshape(n_trees, _TREE, _D).swapaxes(0, 1)
    wcat = jnp.concatenate([W_iou_w, W_f_w], axis=0).T
    bcat = jnp.concatenate([W_iou_b, W_f_b]).reshape(1, 4 * _H)
    out = pl.pallas_call(
        _block_kernel,
        grid=(grid,),
        in_specs=[
            pl.BlockSpec((_TREE, _TB, _D), lambda i: (0, i, 0)),
            pl.BlockSpec((_D, 4 * _H), lambda i: (0, 0)),
            pl.BlockSpec((1, 4 * _H), lambda i: (0, 0)),
            pl.BlockSpec((_H, 3 * _H), lambda i: (0, 0)),
            pl.BlockSpec((_H, _H), lambda i: (0, 0)),
            pl.BlockSpec((_H, _H), lambda i: (0, 0)),
            pl.BlockSpec((1, _H), lambda i: (0, 0)),
            pl.BlockSpec((_H, _H), lambda i: (0, 0)),
            pl.BlockSpec((1, _H), lambda i: (0, 0)),
            pl.BlockSpec((1, _H), lambda i: (0, 0)),
            pl.BlockSpec((1, 1), lambda i: (0, 0)),
        ],
        out_specs=pl.BlockSpec((n_trees, 1), lambda i: (0, 0)),
        out_shape=jax.ShapeDtypeStruct((n_trees, 1), jnp.float32),
        scratch_shapes=[pltpu.VMEM((_PAD, _TB, _H), jnp.float32),
                        pltpu.VMEM((_PAD, _TB, _H), jnp.float32)],
    )(x_nm, wcat.astype(jnp.bfloat16), bcat,
      U_iou_w.T.astype(jnp.bfloat16), U_f_w.T.astype(jnp.bfloat16),
      lin0_w.T.astype(jnp.bfloat16), lin0_b.reshape(1, _H),
      lin1_w.T.astype(jnp.bfloat16), lin1_b.reshape(1, _H),
      out_w.astype(jnp.bfloat16), out_b.reshape(1, 1))
    return out.reshape(-1)

# --- scband reference (transcript-rebuilt; emitter-appended) ---
"""Pipeline reference for scband-tree-lstmmodel-3942779978310 (READ-ONLY COPY).

The authoritative reference and input builder live on the scoring server;
editing this copy changes nothing except your own understanding.
"""

import jax, jax.numpy as jnp
import numpy as np

N_TREES = 1000
TREE_SIZE = 100
D_FEAT = 128
HIDDEN = 32


def _build_tree_structure(size):
    # heap-shaped tree: parent of node i (i>0) is (i-1)//2
    parents = np.array([(i - 1) // 2 for i in range(1, size)], dtype=np.int64)
    # node_order: longest path down to a leaf (treelstm.util.calculate_evaluation_orders)
    order = np.zeros(size, dtype=np.int64)
    for i in range(size - 1, 0, -1):
        p = (i - 1) // 2
        order[p] = max(order[p], order[i] + 1)
    adj = np.stack([parents, np.arange(1, size, dtype=np.int64)], axis=1)
    idx = np.lexsort((adj[:, 1], adj[:, 0]))
    adj = adj[idx]
    edge_order = order[adj[:, 0]]
    return order, adj, edge_order


def _uniform(key, shape, bound):
    return jax.random.uniform(key, shape, jnp.float32, -bound, bound)


def setup_inputs(seed: int = 0):
    key = jax.random.key(seed)
    ks = jax.random.split(key, 16)
    order1, adj1, eord1 = _build_tree_structure(TREE_SIZE)
    node_order = np.tile(order1, N_TREES)
    offsets = np.arange(N_TREES, dtype=np.int64) * TREE_SIZE
    adjacency_list = (adj1[None, :, :] + offsets[:, None, None]).reshape(-1, 2)
    edge_order = np.tile(eord1, N_TREES)
    tree_sizes = np.full(N_TREES, TREE_SIZE, dtype=np.int64)
    features = jax.random.normal(ks[0], (N_TREES * TREE_SIZE, D_FEAT), dtype=jnp.float32)
    s_in = 1.0 / np.sqrt(D_FEAT)
    s_h = 1.0 / np.sqrt(HIDDEN)
    return {
        "features": features,
        "node_order": jnp.asarray(node_order),
        "adjacency_list": jnp.asarray(adjacency_list),
        "edge_order": jnp.asarray(edge_order),
        "tree_sizes": jnp.asarray(tree_sizes),
        "W_iou_w": _uniform(ks[1], (3 * HIDDEN, D_FEAT), s_in),
        "W_iou_b": _uniform(ks[2], (3 * HIDDEN,), s_in),
        "U_iou_w": _uniform(ks[3], (3 * HIDDEN, HIDDEN), s_h),
        "W_f_w": _uniform(ks[4], (HIDDEN, D_FEAT), s_in),
        "W_f_b": _uniform(ks[5], (HIDDEN,), s_in),
        "U_f_w": _uniform(ks[6], (HIDDEN, HIDDEN), s_h),
        "lin0_w": _uniform(ks[7], (HIDDEN, HIDDEN), s_h),
        "lin0_b": _uniform(ks[8], (HIDDEN,), s_h),
        "lin1_w": _uniform(ks[9], (HIDDEN, HIDDEN), s_h),
        "lin1_b": _uniform(ks[10], (HIDDEN,), s_h),
        "out_w": _uniform(ks[11], (1, HIDDEN), s_h),
        "out_b": _uniform(ks[12], (1,), s_h),
    }


def _build_schedule(node_order, adjacency_list, edge_order):
    order1, adj1_static, eord1 = _build_tree_structure(TREE_SIZE)
    n_trees = node_order.shape[0] // TREE_SIZE
    schedule = []
    for it in range(int(order1.max()) + 1):
        n_count = int(np.sum(order1 == it)) * n_trees
        node_ids = jnp.nonzero(node_order == it, size=n_count)[0]
        if it == 0:
            schedule.append((node_ids, None, None, None))
        else:
            e_count = int(np.sum(eord1 == it)) * n_trees
            e_pos = jnp.nonzero(edge_order == it, size=e_count)[0]
            parent_idx = adjacency_list[e_pos, 0]
            child_idx = adjacency_list[e_pos, 1]
            # map global parent node ids to row position within this level's node set
            seg = jnp.searchsorted(node_ids, parent_idx)
            schedule.append((node_ids, parent_idx, child_idx, seg))
    return schedule


def _tree_lstm_forward(features, schedule, N, W_iou_w, W_iou_b, U_iou_w, W_f_w, W_f_b, U_f_w):
    H = U_f_w.shape[0]
    h = jnp.zeros((N, H), jnp.float32)
    c = jnp.zeros((N, H), jnp.float32)
    for it, (node_ids, parent_idx, child_idx, seg) in enumerate(schedule):
        x = features[node_ids]
        wiou = x @ W_iou_w.T + W_iou_b
        if it == 0:
            iou = wiou
        else:
            child_h = h[child_idx]
            child_c = c[child_idx]
            h_sum = jax.ops.segment_sum(child_h, seg, num_segments=node_ids.shape[0])
            iou = wiou + h_sum @ U_iou_w.T
        i_g, o_g, u_g = jnp.split(iou, 3, axis=1)
        i_g = jax.nn.sigmoid(i_g)
        o_g = jax.nn.sigmoid(o_g)
        u_g = jnp.tanh(u_g)
        if it == 0:
            c_new = i_g * u_g
        else:
            f = jax.nn.sigmoid(features[parent_idx] @ W_f_w.T + W_f_b + child_h @ U_f_w.T)
            fc = f * child_c
            c_sum = jax.ops.segment_sum(fc, seg, num_segments=node_ids.shape[0])
            c_new = i_g * u_g + c_sum
        c = c.at[node_ids].set(c_new)
        h = h.at[node_ids].set(o_g * jnp.tanh(c_new))
    return h, c


def reference(features, node_order, adjacency_list, edge_order, tree_sizes,
              W_iou_w, W_iou_b, U_iou_w, W_f_w, W_f_b, U_f_w,
              lin0_w, lin0_b, lin1_w, lin1_b, out_w, out_b):
    schedule = _build_schedule(node_order, adjacency_list, edge_order)
    N = features.shape[0]
    h, c = _tree_lstm_forward(features, schedule, N, W_iou_w, W_iou_b, U_iou_w, W_f_w, W_f_b, U_f_w)
    # unbatch_tree_tensor + per-tree mean (use_root=False)
    n_trees = tree_sizes.shape[0]
    tree_ids = jnp.repeat(jnp.arange(n_trees), tree_sizes, total_repeat_length=N)
    sums = jax.ops.segment_sum(h, tree_ids, num_segments=n_trees)
    y = sums / tree_sizes.astype(jnp.float32)[:, None]
    y = jax.nn.relu(y)  # dropout is identity in eval mode
    y = jax.nn.relu(y @ lin0_w.T + lin0_b)
    y = jax.nn.relu(y @ lin1_w.T + lin1_b)
    y = y @ out_w.T + out_b
    return y.reshape(-1)

if __name__ == "__main__":
    import jax
    _d = setup_inputs()
    print(jax.jit(kernel)(*tuple(_d.values())))

</pallas_src>

<mosaic_0001>
module attributes {stable_mosaic.version = 14 : i64} {
  func.func @_block_kernel(%arg0: i32, %arg1: memref<100x40x128xf32, #tpu.memory_space<vmem>>, %arg2: memref<128x128xbf16, #tpu.memory_space<vmem>>, %arg3: memref<1x128xf32, #tpu.memory_space<vmem>>, %arg4: memref<32x96xbf16, #tpu.memory_space<vmem>>, %arg5: memref<32x32xbf16, #tpu.memory_space<vmem>>, %arg6: memref<32x32xbf16, #tpu.memory_space<vmem>>, %arg7: memref<1x32xf32, #tpu.memory_space<vmem>>, %arg8: memref<32x32xbf16, #tpu.memory_space<vmem>>, %arg9: memref<1x32xf32, #tpu.memory_space<vmem>>, %arg10: memref<1x32xbf16, #tpu.memory_space<vmem>>, %arg11: memref<1x1xf32, #tpu.memory_space<vmem>>, %arg12: memref<1000x1xf32, #tpu.memory_space<vmem>>, %arg13: memref<104x40x32xf32, #tpu.memory_space<vmem>>, %arg14: memref<104x40x32xf32, #tpu.memory_space<vmem>>) attributes {dimension_semantics = [#tpu.dimension_semantics<arbitrary>], iteration_bounds = array<i64: 25>, scalar_prefetch = 0 : i64, scratch_operands = 2 : i64, tpu.core_type = #tpu.core_type<tc>, window_params = [{transform_indices = @transform_0, window_bounds = array<i64: 100, 40, 128>}, {pipeline_mode = #tpu.pipeline_mode<synchronous>, transform_indices = @transform_1, window_bounds = array<i64: 128, 128>}, {pipeline_mode = #tpu.pipeline_mode<synchronous>, transform_indices = @transform_2, window_bounds = array<i64: 1, 128>}, {pipeline_mode = #tpu.pipeline_mode<synchronous>, transform_indices = @transform_3, window_bounds = array<i64: 32, 96>}, {pipeline_mode = #tpu.pipeline_mode<synchronous>, transform_indices = @transform_4, window_bounds = array<i64: 32, 32>}, {pipeline_mode = #tpu.pipeline_mode<synchronous>, transform_indices = @transform_5, window_bounds = array<i64: 32, 32>}, {pipeline_mode = #tpu.pipeline_mode<synchronous>, transform_indices = @transform_6, window_bounds = array<i64: 1, 32>}, {pipeline_mode = #tpu.pipeline_mode<synchronous>, transform_indices = @transform_7, window_bounds = array<i64: 32, 32>}, {pipeline_mode = #tpu.pipeline_mode<synchronous>, transform_indices = @transform_8, window_bounds = array<i64: 1, 32>}, {pipeline_mode = #tpu.pipeline_mode<synchronous>, transform_indices = @transform_9, window_bounds = array<i64: 1, 32>}, {pipeline_mode = #tpu.pipeline_mode<synchronous>, transform_indices = @transform_10, window_bounds = array<i64: 1, 1>}, {pipeline_mode = #tpu.pipeline_mode<synchronous>, transform_indices = @transform_11, window_bounds = array<i64: 1000, 1>}]} {
    %get3A = arith.constant 0 : index
    %get3A_0 = arith.constant 0 : index
    %get3A_1 = arith.constant 0 : index
    %get3A_2 = vector.load %arg1[%get3A, %get3A_0, %get3A_1] : memref<100x40x128xf32, #tpu.memory_space<vmem>>, vector<100x40x128xf32>
    %reshape3A = vector.shape_cast %get3A_2 : vector<100x40x128xf32> to vector<4000x128xf32>
    %get3A_3 = arith.constant 0 : index
    %get3A_4 = arith.constant 0 : index
    %get3A_5 = vector.load %arg2[%get3A_3, %get3A_4] : memref<128x128xbf16, #tpu.memory_space<vmem>>, vector<128x128xbf16>
    %convert_element_type3A = arith.truncf %reshape3A : vector<4000x128xf32> to vector<4000x128xbf16>
    %dot_general3A = arith.constant dense<0.000000e+00> : vector<4000x128xf32>
    %dot_general3A_6 = tpu.matmul %convert_element_type3A, %get3A_5, %dot_general3A {dimension_numbers = #tpu.dot_dimension_numbers<[1], [0], [0], [1], [0, 0, 1, 1], [], []>, transpose_lhs_hint = false} : vector<4000x128xbf16>, vector<128x128xbf16>, vector<4000x128xf32> -> vector<4000x128xf32>
    %get3A_7 = arith.constant 0 : index
    %get3A_8 = arith.constant 0 : index
    %get3A_9 = vector.load %arg3[%get3A_7, %get3A_8] : memref<1x128xf32, #tpu.memory_space<vmem>>, vector<1x128xf32>
    %add3A = vector.broadcast %get3A_9 : vector<1x128xf32> to vector<4000x128xf32>
    %add3A_10 = arith.addf %dot_general3A_6, %add3A : vector<4000x128xf32>
    %reshape3A_11 = vector.shape_cast %add3A_10 : vector<4000x128xf32> to vector<100x40x128xf32>
    %broadcast_in_dim3A = arith.constant 0.000000e+00 : f32
    %broadcast_in_dim3A_12 = vector.broadcast %broadcast_in_dim3A : f32 to vector<4x40x32xf32>
    %swap3A = arith.constant 100 : index
    %swap3A_13 = arith.constant 0 : index
    %swap3A_14 = arith.constant 0 : index
    %swap3A_15 = vector.load %arg13[%swap3A, %swap3A_13, %swap3A_14] : memref<104x40x32xf32, #tpu.memory_space<vmem>>, vector<4x40x32xf32>
    tpu.vector_store %arg13[%swap3A, %swap3A_13, %swap3A_14], %broadcast_in_dim3A_12 {strides = array<i32>} : memref<104x40x32xf32, #tpu.memory_space<vmem>>, vector<4x40x32xf32>,
    %broadcast_in_dim3A_16 = arith.constant 0.000000e+00 : f32
    %broadcast_in_dim3A_17 = vector.broadcast %broadcast_in_dim3A_16 : f32 to vector<4x40x32xf32>
    %swap3A_18 = arith.constant 100 : index
    %swap3A_19 = arith.constant 0 : index
    %swap3A_20 = arith.constant 0 : index
    %swap3A_21 = vector.load %arg14[%swap3A_18, %swap3A_19, %swap3A_20] : memref<104x40x32xf32, #tpu.memory_space<vmem>>, vector<4x40x32xf32>
    tpu.vector_store %arg14[%swap3A_18, %swap3A_19, %swap3A_20], %broadcast_in_dim3A_17 {strides = array<i32>} : memref<104x40x32xf32, #tpu.memory_space<vmem>>, vector<4x40x32xf32>,
    %slice3A = vector.extract_strided_slice %reshape3A_11 {offsets = [50, 0, 0], sizes = [50, 40, 96], strides = [1, 1, 1]} : vector<100x40x128xf32> to vector<50x40x96xf32>
    %slice3A_22 = vector.extract_strided_slice %slice3A {offsets = [0, 0, 0], sizes = [50, 40, 32], strides = [1, 1, 1]} : vector<50x40x96xf32> to vector<50x40x32xf32>
    %logistic3A = arith.negf %slice3A_22 : vector<50x40x32xf32>
    %logistic3A_23 = math.exp %logistic3A : vector<50x40x32xf32>
    %logistic3A_24 = arith.constant 1.000000e+00 : f32
    %logistic3A_25 = vector.broadcast %logistic3A_24 : f32 to vector<50x40x32xf32>
    %logistic3A_26 = arith.addf %logistic3A_25, %logistic3A_23 : vector<50x40x32xf32>
    %logistic3A_27 = arith.divf %logistic3A_25, %logistic3A_26 : vector<50x40x32xf32>
    %slice3A_28 = vector.extract_strided_slice %slice3A {offsets = [0, 0, 32], sizes = [50, 40, 32], strides = [1, 1, 1]} : vector<50x40x96xf32> to vector<50x40x32xf32>
    %logistic3A_29 = arith.negf %slice3A_28 : vector<50x40x32xf32>
    %logistic3A_30 = math.exp %logistic3A_29 : vector<50x40x32xf32>
    %logistic3A_31 = arith.constant 1.000000e+00 : f32
    %logistic3A_32 = vector.broadcast %logistic3A_31 : f32 to vector<50x40x32xf32>
    %logistic3A_33 = arith.addf %logistic3A_32, %logistic3A_30 : vector<50x40x32xf32>
    %logistic3A_34 = arith.divf %logistic3A_32, %logistic3A_33 : vector<50x40x32xf32>
    %slice3A_35 = vector.extract_strided_slice %slice3A {offsets = [0, 0, 64], sizes = [50, 40, 32], strides = [1, 1, 1]} : vector<50x40x96xf32> to vector<50x40x32xf32>
    %tanh3A = math.tanh %slice3A_35 : vector<50x40x32xf32>
    %mul3A = arith.mulf %logistic3A_27, %tanh3A : vector<50x40x32xf32>
    %tanh3A_36 = math.tanh %mul3A : vector<50x40x32xf32>
    %mul3A_37 = arith.mulf %logistic3A_34, %tanh3A_36 : vector<50x40x32xf32>
    %swap3A_38 = arith.constant 50 : index
    %swap3A_39 = arith.constant 0 : index
    %swap3A_40 = arith.constant 0 : index
    %swap3A_41 = vector.load %arg14[%swap3A_38, %swap3A_39, %swap3A_40] : memref<104x40x32xf32, #tpu.memory_space<vmem>>, vector<50x40x32xf32>
    tpu.vector_store %arg14[%swap3A_38, %swap3A_39, %swap3A_40], %mul3A {strides = array<i32>} : memref<104x40x32xf32, #tpu.memory_space<vmem>>, vector<50x40x32xf32>,
    %swap3A_42 = arith.constant 50 : index
    %swap3A_43 = arith.constant 0 : index
    %swap3A_44 = arith.constant 0 : index
    %swap3A_45 = vector.load %arg13[%swap3A_42, %swap3A_43, %swap3A_44] : memref<104x40x32xf32, #tpu.memory_space<vmem>>, vector<50x40x32xf32>
    tpu.vector_store %arg13[%swap3A_42, %swap3A_43, %swap3A_44], %mul3A_37 {strides = array<i32>} : memref<104x40x32xf32, #tpu.memory_space<vmem>>, vector<50x40x32xf32>,
    %slice3A_46 = vector.extract_strided_slice %reshape3A_11 {offsets = [25, 0, 0], sizes = [25, 40, 96], strides = [1, 1, 1]} : vector<100x40x128xf32> to vector<25x40x96xf32>
    %get3A_47 = arith.constant 51 : index
    %get3A_48 = arith.constant 0 : index
    %get3A_49 = arith.constant 0 : index
    %get3A_50 = vector.load %arg13[%get3A_47, %get3A_48, %get3A_49] : memref<104x40x32xf32, #tpu.memory_space<vmem>>, vector<50x40x32xf32>
    %get3A_51 = arith.constant 51 : index
    %get3A_52 = arith.constant 0 : index
    %get3A_53 = arith.constant 0 : index
    %get3A_54 = vector.load %arg14[%get3A_51, %get3A_52, %get3A_53] : memref<104x40x32xf32, #tpu.memory_space<vmem>>, vector<50x40x32xf32>
    %reshape3A_55 = vector.shape_cast %get3A_50 : vector<50x40x32xf32> to vector<25x2x40x32xf32>
    %reduce_sum3A = arith.constant dense<0.000000e+00> : vector<25x40x32xf32>
    %reduce_sum3A_56 = vector.multi_reduction <add>, %reshape3A_55, %reduce_sum3A [1] : vector<25x2x40x32xf32> to vector<25x40x32xf32>
    %reshape3A_57 = vector.shape_cast %reduce_sum3A_56 : vector<25x40x32xf32> to vector<1000x32xf32>
    %get3A_58 = arith.constant 0 : index
    %get3A_59 = arith.constant 0 : index
    %get3A_60 = vector.load %arg4[%get3A_58, %get3A_59] : memref<32x96xbf16, #tpu.memory_space<vmem>>, vector<32x96xbf16>
    %convert_element_type3A_61 = arith.truncf %reshape3A_57 : vector<1000x32xf32> to vector<1000x32xbf16>
    %dot_general3A_62 = arith.constant dense<0.000000e+00> : vector<1000x96xf32>
    %dot_general3A_63 = tpu.matmul %convert_element_type3A_61, %get3A_60, %dot_general3A_62 {dimension_numbers = #tpu.dot_dimension_numbers<[1], [0], [0], [1], [0, 0, 1, 1], [], []>, transpose_lhs_hint = false} : vector<1000x32xbf16>, vector<32x96xbf16>, vector<1000x96xf32> -> vector<1000x96xf32>
    %reshape3A_64 = vector.shape_cast %dot_general3A_63 : vector<1000x96xf32> to vector<25x40x96xf32>
    %add3A_65 = arith.addf %slice3A_46, %reshape3A_64 : vector<25x40x96xf32>
    %slice3A_66 = vector.extract_strided_slice %add3A_65 {offsets = [0, 0, 0], sizes = [25, 40, 32], strides = [1, 1, 1]} : vector<25x40x96xf32> to vector<25x40x32xf32>
    %logistic3A_67 = arith.negf %slice3A_66 : vector<25x40x32xf32>
    %logistic3A_68 = math.exp %logistic3A_67 : vector<25x40x32xf32>
    %logistic3A_69 = arith.constant 1.000000e+00 : f32
    %logistic3A_70 = vector.broadcast %logistic3A_69 : f32 to vector<25x40x32xf32>
    %logistic3A_71 = arith.addf %logistic3A_70, %logistic3A_68 : vector<25x40x32xf32>
    %logistic3A_72 = arith.divf %logistic3A_70, %logistic3A_71 : vector<25x40x32xf32>
    %slice3A_73 = vector.extract_strided_slice %add3A_65 {offsets = [0, 0, 32], sizes = [25, 40, 32], strides = [1, 1, 1]} : vector<25x40x96xf32> to vector<25x40x32xf32>
    %logistic3A_74 = arith.negf %slice3A_73 : vector<25x40x32xf32>
    %logistic3A_75 = math.exp %logistic3A_74 : vector<25x40x32xf32>
    %logistic3A_76 = arith.constant 1.000000e+00 : f32
    %logistic3A_77 = vector.broadcast %logistic3A_76 : f32 to vector<25x40x32xf32>
    %logistic3A_78 = arith.addf %logistic3A_77, %logistic3A_75 : vector<25x40x32xf32>
    %logistic3A_79 = arith.divf %logistic3A_77, %logistic3A_78 : vector<25x40x32xf32>
    %slice3A_80 = vector.extract_strided_slice %add3A_65 {offsets = [0, 0, 64], sizes = [25, 40, 32], strides = [1, 1, 1]} : vector<25x40x96xf32> to vector<25x40x32xf32>
    %tanh3A_81 = math.tanh %slice3A_80 : vector<25x40x32xf32>
    %mul3A_82 = arith.mulf %logistic3A_72, %tanh3A_81 : vector<25x40x32xf32>
    %reshape3A_83 = vector.shape_cast %get3A_50 : vector<50x40x32xf32> to vector<2000x32xf32>
    %get3A_84 = arith.constant 0 : index
    %get3A_85 = arith.constant 0 : index
    %get3A_86 = vector.load %arg5[%get3A_84, %get3A_85] : memref<32x32xbf16, #tpu.memory_space<vmem>>, vector<32x32xbf16>
    %convert_element_type3A_87 = arith.truncf %reshape3A_83 : vector<2000x32xf32> to vector<2000x32xbf16>
    %dot_general3A_88 = arith.constant dense<0.000000e+00> : vector<2000x32xf32>
    %dot_general3A_89 = tpu.matmul %convert_element_type3A_87, %get3A_86, %dot_general3A_88 {dimension_numbers = #tpu.dot_dimension_numbers<[1], [0], [0], [1], [0, 0, 1, 1], [], []>, transpose_lhs_hint = false} : vector<2000x32xbf16>, vector<32x32xbf16>, vector<2000x32xf32> -> vector<2000x32xf32>
    %slice3A_90 = vector.extract_strided_slice %reshape3A_11 {offsets = [25, 0, 96], sizes = [25, 40, 32], strides = [1, 1, 1]} : vector<100x40x128xf32> to vector<25x40x32xf32>
    %broadcast_in_dim3A_91 = vector.shape_cast %slice3A_90 : vector<25x40x32xf32> to vector<25x1x40x32xf32>
    %reshape3A_92 = vector.shape_cast %dot_general3A_89 : vector<2000x32xf32> to vector<25x2x40x32xf32>
    %add3A_93 = vector.broadcast %broadcast_in_dim3A_91 : vector<25x1x40x32xf32> to vector<25x2x40x32xf32>
    %add3A_94 = arith.addf %add3A_93, %reshape3A_92 : vector<25x2x40x32xf32>
    %logistic3A_95 = arith.negf %add3A_94 : vector<25x2x40x32xf32>
    %logistic3A_96 = math.exp %logistic3A_95 : vector<25x2x40x32xf32>
    %logistic3A_97 = arith.constant 1.000000e+00 : f32
    %logistic3A_98 = vector.broadcast %logistic3A_97 : f32 to vector<25x2x40x32xf32>
    %logistic3A_99 = arith.addf %logistic3A_98, %logistic3A_96 : vector<25x2x40x32xf32>
    %logistic3A_100 = arith.divf %logistic3A_98, %logistic3A_99 : vector<25x2x40x32xf32>
    %reshape3A_101 = vector.shape_cast %get3A_54 : vector<50x40x32xf32> to vector<25x2x40x32xf32>
    %mul3A_102 = arith.mulf %logistic3A_100, %reshape3A_101 : vector<25x2x40x32xf32>
    %reduce_sum3A_103 = arith.constant dense<0.000000e+00> : vector<25x40x32xf32>
    %reduce_sum3A_104 = vector.multi_reduction <add>, %mul3A_102, %reduce_sum3A_103 [1] : vector<25x2x40x32xf32> to vector<25x40x32xf32>
    %add3A_105 = arith.addf %mul3A_82, %reduce_sum3A_104 : vector<25x40x32xf32>
    %tanh3A_106 = math.tanh %add3A_105 : vector<25x40x32xf32>
    %mul3A_107 = arith.mulf %logistic3A_79, %tanh3A_106 : vector<25x40x32xf32>
    %swap3A_108 = arith.constant 25 : index
    %swap3A_109 = arith.constant 0 : index
    %swap3A_110 = arith.constant 0 : index
    %swap3A_111 = vector.load %arg14[%swap3A_108, %swap3A_109, %swap3A_110] : memref<104x40x32xf32, #tpu.memory_space<vmem>>, vector<25x40x32xf32>
    tpu.vector_store %arg14[%swap3A_108, %swap3A_109, %swap3A_110], %add3A_105 {strides = array<i32>} : memref<104x40x32xf32, #tpu.memory_space<vmem>>, vector<25x40x32xf32>,
    %swap3A_112 = arith.constant 25 : index
    %swap3A_113 = arith.constant 0 : index
    %swap3A_114 = arith.constant 0 : index
    %swap3A_115 = vector.load %arg13[%swap3A_112, %swap3A_113, %swap3A_114] : memref<104x40x32xf32, #tpu.memory_space<vmem>>, vector<25x40x32xf32>
    tpu.vector_store %arg13[%swap3A_112, %swap3A_113, %swap3A_114], %mul3A_107 {strides = array<i32>} : memref<104x40x32xf32, #tpu.memory_space<vmem>>, vector<25x40x32xf32>,
    %slice3A_116 = vector.extract_strided_slice %reshape3A_11 {offsets = [12, 0, 0], sizes = [13, 40, 96], strides = [1, 1, 1]} : vector<100x40x128xf32> to vector<13x40x96xf32>
    %get3A_117 = arith.constant 25 : index
    %get3A_118 = arith.constant 0 : index
    %get3A_119 = arith.constant 0 : index
    %get3A_120 = vector.load %arg13[%get3A_117, %get3A_118, %get3A_119] : memref<104x40x32xf32, #tpu.memory_space<vmem>>, vector<26x40x32xf32>
    %get3A_121 = arith.constant 25 : index
    %get3A_122 = arith.constant 0 : index
    %get3A_123 = arith.constant 0 : index
    %get3A_124 = vector.load %arg14[%get3A_121, %get3A_122, %get3A_123] : memref<104x40x32xf32, #tpu.memory_space<vmem>>, vector<26x40x32xf32>
    %reshape3A_125 = vector.shape_cast %get3A_120 : vector<26x40x32xf32> to vector<13x2x40x32xf32>
    %reduce_sum3A_126 = arith.constant dense<0.000000e+00> : vector<13x40x32xf32>
    %reduce_sum3A_127 = vector.multi_reduction <add>, %reshape3A_125, %reduce_sum3A_126 [1] : vector<13x2x40x32xf32> to vector<13x40x32xf32>
    %reshape3A_128 = vector.shape_cast %reduce_sum3A_127 : vector<13x40x32xf32> to vector<520x32xf32>
    %get3A_129 = arith.constant 0 : index
    %get3A_130 = arith.constant 0 : index
    %get3A_131 = vector.load %arg4[%get3A_129, %get3A_130] : memref<32x96xbf16, #tpu.memory_space<vmem>>, vector<32x96xbf16>
    %convert_element_type3A_132 = arith.truncf %reshape3A_128 : vector<520x32xf32> to vector<520x32xbf16>
    %dot_general3A_133 = arith.constant dense<0.000000e+00> : vector<520x96xf32>
    %dot_general3A_134 = tpu.matmul %convert_element_type3A_132, %get3A_131, %dot_general3A_133 {dimension_numbers = #tpu.dot_dimension_numbers<[1], [0], [0], [1], [0, 0, 1, 1], [], []>, transpose_lhs_hint = false} : vector<520x32xbf16>, vector<32x96xbf16>, vector<520x96xf32> -> vector<520x96xf32>
    %reshape3A_135 = vector.shape_cast %dot_general3A_134 : vector<520x96xf32> to vector<13x40x96xf32>
    %add3A_136 = arith.addf %slice3A_116, %reshape3A_135 : vector<13x40x96xf32>
    %slice3A_137 = vector.extract_strided_slice %add3A_136 {offsets = [0, 0, 0], sizes = [13, 40, 32], strides = [1, 1, 1]} : vector<13x40x96xf32> to vector<13x40x32xf32>
    %logistic3A_138 = arith.negf %slice3A_137 : vector<13x40x32xf32>
    %logistic3A_139 = math.exp %logistic3A_138 : vector<13x40x32xf32>
    %logistic3A_140 = arith.constant 1.000000e+00 : f32
    %logistic3A_141 = vector.broadcast %logistic3A_140 : f32 to vector<13x40x32xf32>
    %logistic3A_142 = arith.addf %logistic3A_141, %logistic3A_139 : vector<13x40x32xf32>
    %logistic3A_143 = arith.divf %logistic3A_141, %logistic3A_142 : vector<13x40x32xf32>
    %slice3A_144 = vector.extract_strided_slice %add3A_136 {offsets = [0, 0, 32], sizes = [13, 40, 32], strides = [1, 1, 1]} : vector<13x40x96xf32> to vector<13x40x32xf32>
    %logistic3A_145 = arith.negf %slice3A_144 : vector<13x40x32xf32>
    %logistic3A_146 = math.exp %logistic3A_145 : vector<13x40x32xf32>
    %logistic3A_147 = arith.constant 1.000000e+00 : f32
    %logistic3A_148 = vector.broadcast %logistic3A_147 : f32 to vector<13x40x32xf32>
    %logistic3A_149 = arith.addf %logistic3A_148, %logistic3A_146 : vector<13x40x32xf32>
    %logistic3A_150 = arith.divf %logistic3A_148, %logistic3A_149 : vector<13x40x32xf32>
    %slice3A_151 = vector.extract_strided_slice %add3A_136 {offsets = [0, 0, 64], sizes = [13, 40, 32], strides = [1, 1, 1]} : vector<13x40x96xf32> to vector<13x40x32xf32>
    %tanh3A_152 = math.tanh %slice3A_151 : vector<13x40x32xf32>
    %mul3A_153 = arith.mulf %logistic3A_143, %tanh3A_152 : vector<13x40x32xf32>
    %reshape3A_154 = vector.shape_cast %get3A_120 : vector<26x40x32xf32> to vector<1040x32xf32>
    %get3A_155 = arith.constant 0 : index
    %get3A_156 = arith.constant 0 : index
    %get3A_157 = vector.load %arg5[%get3A_155, %get3A_156] : memref<32x32xbf16, #tpu.memory_space<vmem>>, vector<32x32xbf16>
    %convert_element_type3A_158 = arith.truncf %reshape3A_154 : vector<1040x32xf32> to vector<1040x32xbf16>
    %dot_general3A_159 = arith.constant dense<0.000000e+00> : vector<1040x32xf32>
    %dot_general3A_160 = tpu.matmul %convert_element_type3A_158, %get3A_157, %dot_general3A_159 {dimension_numbers = #tpu.dot_dimension_numbers<[1], [0], [0], [1], [0, 0, 1, 1], [], []>, transpose_lhs_hint = false} : vector<1040x32xbf16>, vector<32x32xbf16>, vector<1040x32xf32> -> vector<1040x32xf32>
    %slice3A_161 = vector.extract_strided_slice %reshape3A_11 {offsets = [12, 0, 96], sizes = [13, 40, 32], strides = [1, 1, 1]} : vector<100x40x128xf32> to vector<13x40x32xf32>
    %broadcast_in_dim3A_162 = vector.shape_cast %slice3A_161 : vector<13x40x32xf32> to vector<13x1x40x32xf32>
    %reshape3A_163 = vector.shape_cast %dot_general3A_160 : vector<1040x32xf32> to vector<13x2x40x32xf32>
    %add3A_164 = vector.broadcast %broadcast_in_dim3A_162 : vector<13x1x40x32xf32> to vector<13x2x40x32xf32>
    %add3A_165 = arith.addf %add3A_164, %reshape3A_163 : vector<13x2x40x32xf32>
    %logistic3A_166 = arith.negf %add3A_165 : vector<13x2x40x32xf32>
    %logistic3A_167 = math.exp %logistic3A_166 : vector<13x2x40x32xf32>
    %logistic3A_168 = arith.constant 1.000000e+00 : f32
    %logistic3A_169 = vector.broadcast %logistic3A_168 : f32 to vector<13x2x40x32xf32>
    %logistic3A_170 = arith.addf %logistic3A_169, %logistic3A_167 : vector<13x2x40x32xf32>
    %logistic3A_171 = arith.divf %logistic3A_169, %logistic3A_170 : vector<13x2x40x32xf32>
    %reshape3A_172 = vector.shape_cast %get3A_124 : vector<26x40x32xf32> to vector<13x2x40x32xf32>
    %mul3A_173 = arith.mulf %logistic3A_171, %reshape3A_172 : vector<13x2x40x32xf32>
    %reduce_sum3A_174 = arith.constant dense<0.000000e+00> : vector<13x40x32xf32>
    %reduce_sum3A_175 = vector.multi_reduction <add>, %mul3A_173, %reduce_sum3A_174 [1] : vector<13x2x40x32xf32> to vector<13x40x32xf32>
    %add3A_176 = arith.addf %mul3A_153, %reduce_sum3A_175 : vector<13x40x32xf32>
    %tanh3A_177 = math.tanh %add3A_176 : vector<13x40x32xf32>
    %mul3A_178 = arith.mulf %logistic3A_150, %tanh3A_177 : vector<13x40x32xf32>
    %swap3A_179 = arith.constant 12 : index
    %swap3A_180 = arith.constant 0 : index
    %swap3A_181 = arith.constant 0 : index
    %swap3A_182 = vector.load %arg14[%swap3A_179, %swap3A_180, %swap3A_181] : memref<104x40x32xf32, #tpu.memory_space<vmem>>, vector<13x40x32xf32>
    tpu.vector_store %arg14[%swap3A_179, %swap3A_180, %swap3A_181], %add3A_176 {strides = array<i32>} : memref<104x40x32xf32, #tpu.memory_space<vmem>>, vector<13x40x32xf32>,
    %swap3A_183 = arith.constant 12 : index
    %swap3A_184 = arith.constant 0 : index
    %swap3A_185 = arith.constant 0 : index
    %swap3A_186 = vector.load %arg13[%swap3A_183, %swap3A_184, %swap3A_185] : memref<104x40x32xf32, #tpu.memory_space<vmem>>, vector<13x40x32xf32>
    tpu.vector_store %arg13[%swap3A_183, %swap3A_184, %swap3A_185], %mul3A_178 {strides = array<i32>} : memref<104x40x32xf32, #tpu.memory_space<vmem>>, vector<13x40x32xf32>,
    %slice3A_187 = vector.extract_strided_slice %reshape3A_11 {offsets = [6, 0, 0], sizes = [6, 40, 96], strides = [1, 1, 1]} : vector<100x40x128xf32> to vector<6x40x96xf32>
    %get3A_188 = arith.constant 13 : index
    %get3A_189 = arith.constant 0 : index
    %get3A_190 = arith.constant 0 : index
    %get3A_191 = vector.load %arg13[%get3A_188, %get3A_189, %get3A_190] : memref<104x40x32xf32, #tpu.memory_space<vmem>>, vector<12x40x32xf32>
    %get3A_192 = arith.constant 13 : index
    %get3A_193 = arith.constant 0 : index
    %get3A_194 = arith.constant 0 : index
    %get3A_195 = vector.load %arg14[%get3A_192, %get3A_193, %get3A_194] : memref<104x40x32xf32, #tpu.memory_space<vmem>>, vector<12x40x32xf32>
    %reshape3A_196 = vector.shape_cast %get3A_191 : vector<12x40x32xf32> to vector<6x2x40x32xf32>
    %reduce_sum3A_197 = arith.constant dense<0.000000e+00> : vector<6x40x32xf32>
    %reduce_sum3A_198 = vector.multi_reduction <add>, %reshape3A_196, %reduce_sum3A_197 [1] : vector<6x2x40x32xf32> to vector<6x40x32xf32>
    %reshape3A_199 = vector.shape_cast %reduce_sum3A_198 : vector<6x40x32xf32> to vector<240x32xf32>
    %get3A_200 = arith.constant 0 : index
    %get3A_201 = arith.constant 0 : index
    %get3A_202 = vector.load %arg4[%get3A_200, %get3A_201] : memref<32x96xbf16, #tpu.memory_space<vmem>>, vector<32x96xbf16>
    %convert_element_type3A_203 = arith.truncf %reshape3A_199 : vector<240x32xf32> to vector<240x32xbf16>
    %dot_general3A_204 = arith.constant dense<0.000000e+00> : vector<240x96xf32>
    %dot_general3A_205 = tpu.matmul %convert_element_type3A_203, %get3A_202, %dot_general3A_204 {dimension_numbers = #tpu.dot_dimension_numbers<[1], [0], [0], [1], [0, 0, 1, 1], [], []>, transpose_lhs_hint = false} : vector<240x32xbf16>, vector<32x96xbf16>, vector<240x96xf32> -> vector<240x96xf32>
    %reshape3A_206 = vector.shape_cast %dot_general3A_205 : vector<240x96xf32> to vector<6x40x96xf32>
    %add3A_207 = arith.addf %slice3A_187, %reshape3A_206 : vector<6x40x96xf32>
    %slice3A_208 = vector.extract_strided_slice %add3A_207 {offsets = [0, 0, 0], sizes = [6, 40, 32], strides = [1, 1, 1]} : vector<6x40x96xf32> to vector<6x40x32xf32>
    %logistic3A_209 = arith.negf %slice3A_208 : vector<6x40x32xf32>
    %logistic3A_210 = math.exp %logistic3A_209 : vector<6x40x32xf32>
    %logistic3A_211 = arith.constant 1.000000e+00 : f32
    %logistic3A_212 = vector.broadcast %logistic3A_211 : f32 to vector<6x40x32xf32>
    %logistic3A_213 = arith.addf %logistic3A_212, %logistic3A_210 : vector<6x40x32xf32>
    %logistic3A_214 = arith.divf %logistic3A_212, %logistic3A_213 : vector<6x40x32xf32>
    %slice3A_215 = vector.extract_strided_slice %add3A_207 {offsets = [0, 0, 32], sizes = [6, 40, 32], strides = [1, 1, 1]} : vector<6x40x96xf32> to vector<6x40x32xf32>
    %logistic3A_216 = arith.negf %slice3A_215 : vector<6x40x32xf32>
    %logistic3A_217 = math.exp %logistic3A_216 : vector<6x40x32xf32>
    %logistic3A_218 = arith.constant 1.000000e+00 : f32
    %logistic3A_219 = vector.broadcast %logistic3A_218 : f32 to vector<6x40x32xf32>
    %logistic3A_220 = arith.addf %logistic3A_219, %logistic3A_217 : vector<6x40x32xf32>
    %logistic3A_221 = arith.divf %logistic3A_219, %logistic3A_220 : vector<6x40x32xf32>
    %slice3A_222 = vector.extract_strided_slice %add3A_207 {offsets = [0, 0, 64], sizes = [6, 40, 32], strides = [1, 1, 1]} : vector<6x40x96xf32> to vector<6x40x32xf32>
    %tanh3A_223 = math.tanh %slice3A_222 : vector<6x40x32xf32>
    %mul3A_224 = arith.mulf %logistic3A_214, %tanh3A_223 : vector<6x40x32xf32>
    %reshape3A_225 = vector.shape_cast %get3A_191 : vector<12x40x32xf32> to vector<480x32xf32>
    %get3A_226 = arith.constant 0 : index
    %get3A_227 = arith.constant 0 : index
    %get3A_228 = vector.load %arg5[%get3A_226, %get3A_227] : memref<32x32xbf16, #tpu.memory_space<vmem>>, vector<32x32xbf16>
    %convert_element_type3A_229 = arith.truncf %reshape3A_225 : vector<480x32xf32> to vector<480x32xbf16>
    %dot_general3A_230 = arith.constant dense<0.000000e+00> : vector<480x32xf32>
    %dot_general3A_231 = tpu.matmul %convert_element_type3A_229, %get3A_228, %dot_general3A_230 {dimension_numbers = #tpu.dot_dimension_numbers<[1], [0], [0], [1], [0, 0, 1, 1], [], []>, transpose_lhs_hint = false} : vector<480x32xbf16>, vector<32x32xbf16>, vector<480x32xf32> -> vector<480x32xf32>
    %slice3A_232 = vector.extract_strided_slice %reshape3A_11 {offsets = [6, 0, 96], sizes = [6, 40, 32], strides = [1, 1, 1]} : vector<100x40x128xf32> to vector<6x40x32xf32>
    %broadcast_in_dim3A_233 = vector.shape_cast %slice3A_232 : vector<6x40x32xf32> to vector<6x1x40x32xf32>
    %reshape3A_234 = vector.shape_cast %dot_general3A_231 : vector<480x32xf32> to vector<6x2x40x32xf32>
    %add3A_235 = vector.broadcast %broadcast_in_dim3A_233 : vector<6x1x40x32xf32> to vector<6x2x40x32xf32>
    %add3A_236 = arith.addf %add3A_235, %reshape3A_234 : vector<6x2x40x32xf32>
    %logistic3A_237 = arith.negf %add3A_236 : vector<6x2x40x32xf32>
    %logistic3A_238 = math.exp %logistic3A_237 : vector<6x2x40x32xf32>
    %logistic3A_239 = arith.constant 1.000000e+00 : f32
    %logistic3A_240 = vector.broadcast %logistic3A_239 : f32 to vector<6x2x40x32xf32>
    %logistic3A_241 = arith.addf %logistic3A_240, %logistic3A_238 : vector<6x2x40x32xf32>
    %logistic3A_242 = arith.divf %logistic3A_240, %logistic3A_241 : vector<6x2x40x32xf32>
    %reshape3A_243 = vector.shape_cast %get3A_195 : vector<12x40x32xf32> to vector<6x2x40x32xf32>
    %mul3A_244 = arith.mulf %logistic3A_242, %reshape3A_243 : vector<6x2x40x32xf32>
    %reduce_sum3A_245 = arith.constant dense<0.000000e+00> : vector<6x40x32xf32>
    %reduce_sum3A_246 = vector.multi_reduction <add>, %mul3A_244, %reduce_sum3A_245 [1] : vector<6x2x40x32xf32> to vector<6x40x32xf32>
    %add3A_247 = arith.addf %mul3A_224, %reduce_sum3A_246 : vector<6x40x32xf32>
    %tanh3A_248 = math.tanh %add3A_247 : vector<6x40x32xf32>
    %mul3A_249 = arith.mulf %logistic3A_221, %tanh3A_248 : vector<6x40x32xf32>
    %swap3A_250 = arith.constant 6 : index
    %swap3A_251 = arith.constant 0 : index
    %swap3A_252 = arith.constant 0 : index
    %swap3A_253 = vector.load %arg14[%swap3A_250, %swap3A_251, %swap3A_252] : memref<104x40x32xf32, #tpu.memory_space<vmem>>, vector<6x40x32xf32>
    tpu.vector_store %arg14[%swap3A_250, %swap3A_251, %swap3A_252], %add3A_247 {strides = array<i32>} : memref<104x40x32xf32, #tpu.memory_space<vmem>>, vector<6x40x32xf32>,
    %swap3A_254 = arith.constant 6 : index
    %swap3A_255 = arith.constant 0 : index
    %swap3A_256 = arith.constant 0 : index
    %swap3A_257 = vector.load %arg13[%swap3A_254, %swap3A_255, %swap3A_256] : memref<104x40x32xf32, #tpu.memory_space<vmem>>, vector<6x40x32xf32>
    tpu.vector_store %arg13[%swap3A_254, %swap3A_255, %swap3A_256], %mul3A_249 {strides = array<i32>} : memref<104x40x32xf32, #tpu.memory_space<vmem>>, vector<6x40x32xf32>,
    %slice3A_258 = vector.extract_strided_slice %reshape3A_11 {offsets = [3, 0, 0], sizes = [3, 40, 96], strides = [1, 1, 1]} : vector<100x40x128xf32> to vector<3x40x96xf32>
    %get3A_259 = arith.constant 7 : index
    %get3A_260 = arith.constant 0 : index
    %get3A_261 = arith.constant 0 : index
    %get3A_262 = vector.load %arg13[%get3A_259, %get3A_260, %get3A_261] : memref<104x40x32xf32, #tpu.memory_space<vmem>>, vector<6x40x32xf32>
    %get3A_263 = arith.constant 7 : index
    %get3A_264 = arith.constant 0 : index
    %get3A_265 = arith.constant 0 : index
    %get3A_266 = vector.load %arg14[%get3A_263, %get3A_264, %get3A_265] : memref<104x40x32xf32, #tpu.memory_space<vmem>>, vector<6x40x32xf32>
    %reshape3A_267 = vector.shape_cast %get3A_262 : vector<6x40x32xf32> to vector<3x2x40x32xf32>
    %reduce_sum3A_268 = arith.constant dense<0.000000e+00> : vector<3x40x32xf32>
    %reduce_sum3A_269 = vector.multi_reduction <add>, %reshape3A_267, %reduce_sum3A_268 [1] : vector<3x2x40x32xf32> to vector<3x40x32xf32>
    %reshape3A_270 = vector.shape_cast %reduce_sum3A_269 : vector<3x40x32xf32> to vector<120x32xf32>
    %get3A_271 = arith.constant 0 : index
    %get3A_272 = arith.constant 0 : index
    %get3A_273 = vector.load %arg4[%get3A_271, %get3A_272] : memref<32x96xbf16, #tpu.memory_space<vmem>>, vector<32x96xbf16>
    %convert_element_type3A_274 = arith.truncf %reshape3A_270 : vector<120x32xf32> to vector<120x32xbf16>
    %dot_general3A_275 = arith.constant dense<0.000000e+00> : vector<120x96xf32>
    %dot_general3A_276 = tpu.matmul %convert_element_type3A_274, %get3A_273, %dot_general3A_275 {dimension_numbers = #tpu.dot_dimension_numbers<[1], [0], [0], [1], [0, 0, 1, 1], [], []>, transpose_lhs_hint = false} : vector<120x32xbf16>, vector<32x96xbf16>, vector<120x96xf32> -> vector<120x96xf32>
    %reshape3A_277 = vector.shape_cast %dot_general3A_276 : vector<120x96xf32> to vector<3x40x96xf32>
    %add3A_278 = arith.addf %slice3A_258, %reshape3A_277 : vector<3x40x96xf32>
    %slice3A_279 = vector.extract_strided_slice %add3A_278 {offsets = [0, 0, 0], sizes = [3, 40, 32], strides = [1, 1, 1]} : vector<3x40x96xf32> to vector<3x40x32xf32>
    %logistic3A_280 = arith.negf %slice3A_279 : vector<3x40x32xf32>
    %logistic3A_281 = math.exp %logistic3A_280 : vector<3x40x32xf32>
    %logistic3A_282 = arith.constant 1.000000e+00 : f32
    %logistic3A_283 = vector.broadcast %logistic3A_282 : f32 to vector<3x40x32xf32>
    %logistic3A_284 = arith.addf %logistic3A_283, %logistic3A_281 : vector<3x40x32xf32>
    %logistic3A_285 = arith.divf %logistic3A_283, %logistic3A_284 : vector<3x40x32xf32>
    %slice3A_286 = vector.extract_strided_slice %add3A_278 {offsets = [0, 0, 32], sizes = [3, 40, 32], strides = [1, 1, 1]} : vector<3x40x96xf32> to vector<3x40x32xf32>
    %logistic3A_287 = arith.negf %slice3A_286 : vector<3x40x32xf32>
    %logistic3A_288 = math.exp %logistic3A_287 : vector<3x40x32xf32>
    %logistic3A_289 = arith.constant 1.000000e+00 : f32
    %logistic3A_290 = vector.broadcast %logistic3A_289 : f32 to vector<3x40x32xf32>
    %logistic3A_291 = arith.addf %logistic3A_290, %logistic3A_288 : vector<3x40x32xf32>
    %logistic3A_292 = arith.divf %logistic3A_290, %logistic3A_291 : vector<3x40x32xf32>
    %slice3A_293 = vector.extract_strided_slice %add3A_278 {offsets = [0, 0, 64], sizes = [3, 40, 32], strides = [1, 1, 1]} : vector<3x40x96xf32> to vector<3x40x32xf32>
    %tanh3A_294 = math.tanh %slice3A_293 : vector<3x40x32xf32>
    %mul3A_295 = arith.mulf %logistic3A_285, %tanh3A_294 : vector<3x40x32xf32>
    %reshape3A_296 = vector.shape_cast %get3A_262 : vector<6x40x32xf32> to vector<240x32xf32>
    %get3A_297 = arith.constant 0 : index
    %get3A_298 = arith.constant 0 : index
    %get3A_299 = vector.load %arg5[%get3A_297, %get3A_298] : memref<32x32xbf16, #tpu.memory_space<vmem>>, vector<32x32xbf16>
    %convert_element_type3A_300 = arith.truncf %reshape3A_296 : vector<240x32xf32> to vector<240x32xbf16>
    %dot_general3A_301 = arith.constant dense<0.000000e+00> : vector<240x32xf32>
    %dot_general3A_302 = tpu.matmul %convert_element_type3A_300, %get3A_299, %dot_general3A_301 {dimension_numbers = #tpu.dot_dimension_numbers<[1], [0], [0], [1], [0, 0, 1, 1], [], []>, transpose_lhs_hint = false} : vector<240x32xbf16>, vector<32x32xbf16>, vector<240x32xf32> -> vector<240x32xf32>
    %slice3A_303 = vector.extract_strided_slice %reshape3A_11 {offsets = [3, 0, 96], sizes = [3, 40, 32], strides = [1, 1, 1]} : vector<100x40x128xf32> to vector<3x40x32xf32>
    %broadcast_in_dim3A_304 = vector.shape_cast %slice3A_303 : vector<3x40x32xf32> to vector<3x1x40x32xf32>
    %reshape3A_305 = vector.shape_cast %dot_general3A_302 : vector<240x32xf32> to vector<3x2x40x32xf32>
    %add3A_306 = vector.broadcast %broadcast_in_dim3A_304 : vector<3x1x40x32xf32> to vector<3x2x40x32xf32>
    %add3A_307 = arith.addf %add3A_306, %reshape3A_305 : vector<3x2x40x32xf32>
    %logistic3A_308 = arith.negf %add3A_307 : vector<3x2x40x32xf32>
    %logistic3A_309 = math.exp %logistic3A_308 : vector<3x2x40x32xf32>
    %logistic3A_310 = arith.constant 1.000000e+00 : f32
    %logistic3A_311 = vector.broadcast %logistic3A_310 : f32 to vector<3x2x40x32xf32>
    %logistic3A_312 = arith.addf %logistic3A_311, %logistic3A_309 : vector<3x2x40x32xf32>
    %logistic3A_313 = arith.divf %logistic3A_311, %logistic3A_312 : vector<3x2x40x32xf32>
    %reshape3A_314 = vector.shape_cast %get3A_266 : vector<6x40x32xf32> to vector<3x2x40x32xf32>
    %mul3A_315 = arith.mulf %logistic3A_313, %reshape3A_314 : vector<3x2x40x32xf32>
    %reduce_sum3A_316 = arith.constant dense<0.000000e+00> : vector<3x40x32xf32>
    %reduce_sum3A_317 = vector.multi_reduction <add>, %mul3A_315, %reduce_sum3A_316 [1] : vector<3x2x40x32xf32> to vector<3x40x32xf32>
    %add3A_318 = arith.addf %mul3A_295, %reduce_sum3A_317 : vector<3x40x32xf32>
    %tanh3A_319 = math.tanh %add3A_318 : vector<3x40x32xf32>
    %mul3A_320 = arith.mulf %logistic3A_292, %tanh3A_319 : vector<3x40x32xf32>
    %swap3A_321 = arith.constant 3 : index
    %swap3A_322 = arith.constant 0 : index
    %swap3A_323 = arith.constant 0 : index
    %swap3A_324 = vector.load %arg14[%swap3A_321, %swap3A_322, %swap3A_323] : memref<104x40x32xf32, #tpu.memory_space<vmem>>, vector<3x40x32xf32>
    tpu.vector_store %arg14[%swap3A_321, %swap3A_322, %swap3A_323], %add3A_318 {strides = array<i32>} : memref<104x40x32xf32, #tpu.memory_space<vmem>>, vector<3x40x32xf32>,
    %swap3A_325 = arith.constant 3 : index
    %swap3A_326 = arith.constant 0 : index
    %swap3A_327 = arith.constant 0 : index
    %swap3A_328 = vector.load %arg13[%swap3A_325, %swap3A_326, %swap3A_327] : memref<104x40x32xf32, #tpu.memory_space<vmem>>, vector<3x40x32xf32>
    tpu.vector_store %arg13[%swap3A_325, %swap3A_326, %swap3A_327], %mul3A_320 {strides = array<i32>} : memref<104x40x32xf32, #tpu.memory_space<vmem>>, vector<3x40x32xf32>,
    %slice3A_329 = vector.extract_strided_slice %reshape3A_11 {offsets = [1, 0, 0], sizes = [2, 40, 96], strides = [1, 1, 1]} : vector<100x40x128xf32> to vector<2x40x96xf32>
    %get3A_330 = arith.constant 3 : index
    %get3A_331 = arith.constant 0 : index
    %get3A_332 = arith.constant 0 : index
    %get3A_333 = vector.load %arg13[%get3A_330, %get3A_331, %get3A_332] : memref<104x40x32xf32, #tpu.memory_space<vmem>>, vector<4x40x32xf32>
    %get3A_334 = arith.constant 3 : index
    %get3A_335 = arith.constant 0 : index
    %get3A_336 = arith.constant 0 : index
    %get3A_337 = vector.load %arg14[%get3A_334, %get3A_335, %get3A_336] : memref<104x40x32xf32, #tpu.memory_space<vmem>>, vector<4x40x32xf32>
    %reshape3A_338 = vector.shape_cast %get3A_333 : vector<4x40x32xf32> to vector<2x2x40x32xf32>
    %reduce_sum3A_339 = arith.constant dense<0.000000e+00> : vector<2x40x32xf32>
    %reduce_sum3A_340 = vector.multi_reduction <add>, %reshape3A_338, %reduce_sum3A_339 [1] : vector<2x2x40x32xf32> to vector<2x40x32xf32>
    %reshape3A_341 = vector.shape_cast %reduce_sum3A_340 : vector<2x40x32xf32> to vector<80x32xf32>
    %get3A_342 = arith.constant 0 : index
    %get3A_343 = arith.constant 0 : index
    %get3A_344 = vector.load %arg4[%get3A_342, %get3A_343] : memref<32x96xbf16, #tpu.memory_space<vmem>>, vector<32x96xbf16>
    %convert_element_type3A_345 = arith.truncf %reshape3A_341 : vector<80x32xf32> to vector<80x32xbf16>
    %dot_general3A_346 = arith.constant dense<0.000000e+00> : vector<80x96xf32>
    %dot_general3A_347 = tpu.matmul %convert_element_type3A_345, %get3A_344, %dot_general3A_346 {dimension_numbers = #tpu.dot_dimension_numbers<[1], [0], [0], [1], [0, 0, 1, 1], [], []>, transpose_lhs_hint = false} : vector<80x32xbf16>, vector<32x96xbf16>, vector<80x96xf32> -> vector<80x96xf32>
    %reshape3A_348 = vector.shape_cast %dot_general3A_347 : vector<80x96xf32> to vector<2x40x96xf32>
    %add3A_349 = arith.addf %slice3A_329, %reshape3A_348 : vector<2x40x96xf32>
    %slice3A_350 = vector.extract_strided_slice %add3A_349 {offsets = [0, 0, 0], sizes = [2, 40, 32], strides = [1, 1, 1]} : vector<2x40x96xf32> to vector<2x40x32xf32>
    %logistic3A_351 = arith.negf %slice3A_350 : vector<2x40x32xf32>
    %logistic3A_352 = math.exp %logistic3A_351 : vector<2x40x32xf32>
    %logistic3A_353 = arith.constant 1.000000e+00 : f32
    %logistic3A_354 = vector.broadcast %logistic3A_353 : f32 to vector<2x40x32xf32>
    %logistic3A_355 = arith.addf %logistic3A_354, %logistic3A_352 : vector<2x40x32xf32>
    %logistic3A_356 = arith.divf %logistic3A_354, %logistic3A_355 : vector<2x40x32xf32>
    %slice3A_357 = vector.extract_strided_slice %add3A_349 {offsets = [0, 0, 32], sizes = [2, 40, 32], strides = [1, 1, 1]} : vector<2x40x96xf32> to vector<2x40x32xf32>
    %logistic3A_358 = arith.negf %slice3A_357 : vector<2x40x32xf32>
    %logistic3A_359 = math.exp %logistic3A_358 : vector<2x40x32xf32>
    %logistic3A_360 = arith.constant 1.000000e+00 : f32
    %logistic3A_361 = vector.broadcast %logistic3A_360 : f32 to vector<2x40x32xf32>
    %logistic3A_362 = arith.addf %logistic3A_361, %logistic3A_359 : vector<2x40x32xf32>
    %logistic3A_363 = arith.divf %logistic3A_361, %logistic3A_362 : vector<2x40x32xf32>
    %slice3A_364 = vector.extract_strided_slice %add3A_349 {offsets = [0, 0, 64], sizes = [2, 40, 32], strides = [1, 1, 1]} : vector<2x40x96xf32> to vector<2x40x32xf32>
    %tanh3A_365 = math.tanh %slice3A_364 : vector<2x40x32xf32>
    %mul3A_366 = arith.mulf %logistic3A_356, %tanh3A_365 : vector<2x40x32xf32>
    %reshape3A_367 = vector.shape_cast %get3A_333 : vector<4x40x32xf32> to vector<160x32xf32>
    %get3A_368 = arith.constant 0 : index
    %get3A_369 = arith.constant 0 : index
    %get3A_370 = vector.load %arg5[%get3A_368, %get3A_369] : memref<32x32xbf16, #tpu.memory_space<vmem>>, vector<32x32xbf16>
    %convert_element_type3A_371 = arith.truncf %reshape3A_367 : vector<160x32xf32> to vector<160x32xbf16>
    %dot_general3A_372 = arith.constant dense<0.000000e+00> : vector<160x32xf32>
    %dot_general3A_373 = tpu.matmul %convert_element_type3A_371, %get3A_370, %dot_general3A_372 {dimension_numbers = #tpu.dot_dimension_numbers<[1], [0], [0], [1], [0, 0, 1, 1], [], []>, transpose_lhs_hint = false} : vector<160x32xbf16>, vector<32x32xbf16>, vector<160x32xf32> -> vector<160x32xf32>
    %slice3A_374 = vector.extract_strided_slice %reshape3A_11 {offsets = [1, 0, 96], sizes = [2, 40, 32], strides = [1, 1, 1]} : vector<100x40x128xf32> to vector<2x40x32xf32>
    %broadcast_in_dim3A_375 = vector.shape_cast %slice3A_374 : vector<2x40x32xf32> to vector<2x1x40x32xf32>
    %reshape3A_376 = vector.shape_cast %dot_general3A_373 : vector<160x32xf32> to vector<2x2x40x32xf32>
    %add3A_377 = vector.broadcast %broadcast_in_dim3A_375 : vector<2x1x40x32xf32> to vector<2x2x40x32xf32>
    %add3A_378 = arith.addf %add3A_377, %reshape3A_376 : vector<2x2x40x32xf32>
    %logistic3A_379 = arith.negf %add3A_378 : vector<2x2x40x32xf32>
    %logistic3A_380 = math.exp %logistic3A_379 : vector<2x2x40x32xf32>
    %logistic3A_381 = arith.constant 1.000000e+00 : f32
    %logistic3A_382 = vector.broadcast %logistic3A_381 : f32 to vector<2x2x40x32xf32>
    %logistic3A_383 = arith.addf %logistic3A_382, %logistic3A_380 : vector<2x2x40x32xf32>
    %logistic3A_384 = arith.divf %logistic3A_382, %logistic3A_383 : vector<2x2x40x32xf32>
    %reshape3A_385 = vector.shape_cast %get3A_337 : vector<4x40x32xf32> to vector<2x2x40x32xf32>
    %mul3A_386 = arith.mulf %logistic3A_384, %reshape3A_385 : vector<2x2x40x32xf32>
    %reduce_sum3A_387 = arith.constant dense<0.000000e+00> : vector<2x40x32xf32>
    %reduce_sum3A_388 = vector.multi_reduction <add>, %mul3A_386, %reduce_sum3A_387 [1] : vector<2x2x40x32xf32> to vector<2x40x32xf32>
    %add3A_389 = arith.addf %mul3A_366, %reduce_sum3A_388 : vector<2x40x32xf32>
    %tanh3A_390 = math.tanh %add3A_389 : vector<2x40x32xf32>
    %mul3A_391 = arith.mulf %logistic3A_363, %tanh3A_390 : vector<2x40x32xf32>
    %swap3A_392 = arith.constant 1 : index
    %swap3A_393 = arith.constant 0 : index
    %swap3A_394 = arith.constant 0 : index
    %swap3A_395 = vector.load %arg14[%swap3A_392, %swap3A_393, %swap3A_394] : memref<104x40x32xf32, #tpu.memory_space<vmem>>, vector<2x40x32xf32>
    tpu.vector_store %arg14[%swap3A_392, %swap3A_393, %swap3A_394], %add3A_389 {strides = array<i32>} : memref<104x40x32xf32, #tpu.memory_space<vmem>>, vector<2x40x32xf32>,
    %swap3A_396 = arith.constant 1 : index
    %swap3A_397 = arith.constant 0 : index
    %swap3A_398 = arith.constant 0 : index
    %swap3A_399 = vector.load %arg13[%swap3A_396, %swap3A_397, %swap3A_398] : memref<104x40x32xf32, #tpu.memory_space<vmem>>, vector<2x40x32xf32>
    tpu.vector_store %arg13[%swap3A_396, %swap3A_397, %swap3A_398], %mul3A_391 {strides = array<i32>} : memref<104x40x32xf32, #tpu.memory_space<vmem>>, vector<2x40x32xf32>,
    %slice3A_400 = vector.extract_strided_slice %reshape3A_11 {offsets = [0, 0, 0], sizes = [1, 40, 96], strides = [1, 1, 1]} : vector<100x40x128xf32> to vector<1x40x96xf32>
    %get3A_401 = arith.constant 1 : index
    %get3A_402 = arith.constant 0 : index
    %get3A_403 = arith.constant 0 : index
    %get3A_404 = vector.load %arg13[%get3A_401, %get3A_402, %get3A_403] : memref<104x40x32xf32, #tpu.memory_space<vmem>>, vector<2x40x32xf32>
    %get3A_405 = arith.constant 1 : index
    %get3A_406 = arith.constant 0 : index
    %get3A_407 = arith.constant 0 : index
    %get3A_408 = vector.load %arg14[%get3A_405, %get3A_406, %get3A_407] : memref<104x40x32xf32, #tpu.memory_space<vmem>>, vector<2x40x32xf32>
    %reshape3A_409 = vector.shape_cast %get3A_404 : vector<2x40x32xf32> to vector<1x2x40x32xf32>
    %reduce_sum3A_410 = arith.constant dense<0.000000e+00> : vector<1x40x32xf32>
    %reduce_sum3A_411 = vector.multi_reduction <add>, %reshape3A_409, %reduce_sum3A_410 [1] : vector<1x2x40x32xf32> to vector<1x40x32xf32>
    %reshape3A_412 = vector.shape_cast %reduce_sum3A_411 : vector<1x40x32xf32> to vector<40x32xf32>
    %get3A_413 = arith.constant 0 : index
    %get3A_414 = arith.constant 0 : index
    %get3A_415 = vector.load %arg4[%get3A_413, %get3A_414] : memref<32x96xbf16, #tpu.memory_space<vmem>>, vector<32x96xbf16>
    %convert_element_type3A_416 = arith.truncf %reshape3A_412 : vector<40x32xf32> to vector<40x32xbf16>
    %dot_general3A_417 = arith.constant dense<0.000000e+00> : vector<40x96xf32>
    %dot_general3A_418 = tpu.matmul %convert_element_type3A_416, %get3A_415, %dot_general3A_417 {dimension_numbers = #tpu.dot_dimension_numbers<[1], [0], [0], [1], [0, 0, 1, 1], [], []>, transpose_lhs_hint = false} : vector<40x32xbf16>, vector<32x96xbf16>, vector<40x96xf32> -> vector<40x96xf32>
    %reshape3A_419 = vector.shape_cast %dot_general3A_418 : vector<40x96xf32> to vector<1x40x96xf32>
    %add3A_420 = arith.addf %slice3A_400, %reshape3A_419 : vector<1x40x96xf32>
    %slice3A_421 = vector.extract_strided_slice %add3A_420 {offsets = [0, 0, 0], sizes = [1, 40, 32], strides = [1, 1, 1]} : vector<1x40x96xf32> to vector<1x40x32xf32>
    %logistic3A_422 = arith.negf %slice3A_421 : vector<1x40x32xf32>
    %logistic3A_423 = math.exp %logistic3A_422 : vector<1x40x32xf32>
    %logistic3A_424 = arith.constant 1.000000e+00 : f32
    %logistic3A_425 = vector.broadcast %logistic3A_424 : f32 to vector<1x40x32xf32>
    %logistic3A_426 = arith.addf %logistic3A_425, %logistic3A_423 : vector<1x40x32xf32>
    %logistic3A_427 = arith.divf %logistic3A_425, %logistic3A_426 : vector<1x40x32xf32>
    %slice3A_428 = vector.extract_strided_slice %add3A_420 {offsets = [0, 0, 32], sizes = [1, 40, 32], strides = [1, 1, 1]} : vector<1x40x96xf32> to vector<1x40x32xf32>
    %logistic3A_429 = arith.negf %slice3A_428 : vector<1x40x32xf32>
    %logistic3A_430 = math.exp %logistic3A_429 : vector<1x40x32xf32>
    %logistic3A_431 = arith.constant 1.000000e+00 : f32
    %logistic3A_432 = vector.broadcast %logistic3A_431 : f32 to vector<1x40x32xf32>
    %logistic3A_433 = arith.addf %logistic3A_432, %logistic3A_430 : vector<1x40x32xf32>
    %logistic3A_434 = arith.divf %logistic3A_432, %logistic3A_433 : vector<1x40x32xf32>
    %slice3A_435 = vector.extract_strided_slice %add3A_420 {offsets = [0, 0, 64], sizes = [1, 40, 32], strides = [1, 1, 1]} : vector<1x40x96xf32> to vector<1x40x32xf32>
    %tanh3A_436 = math.tanh %slice3A_435 : vector<1x40x32xf32>
    %mul3A_437 = arith.mulf %logistic3A_427, %tanh3A_436 : vector<1x40x32xf32>
    %reshape3A_438 = vector.shape_cast %get3A_404 : vector<2x40x32xf32> to vector<80x32xf32>
    %get3A_439 = arith.constant 0 : index
    %get3A_440 = arith.constant 0 : index
    %get3A_441 = vector.load %arg5[%get3A_439, %get3A_440] : memref<32x32xbf16, #tpu.memory_space<vmem>>, vector<32x32xbf16>
    %convert_element_type3A_442 = arith.truncf %reshape3A_438 : vector<80x32xf32> to vector<80x32xbf16>
    %dot_general3A_443 = arith.constant dense<0.000000e+00> : vector<80x32xf32>
    %dot_general3A_444 = tpu.matmul %convert_element_type3A_442, %get3A_441, %dot_general3A_443 {dimension_numbers = #tpu.dot_dimension_numbers<[1], [0], [0], [1], [0, 0, 1, 1], [], []>, transpose_lhs_hint = false} : vector<80x32xbf16>, vector<32x32xbf16>, vector<80x32xf32> -> vector<80x32xf32>
    %slice3A_445 = vector.extract_strided_slice %reshape3A_11 {offsets = [0, 0, 96], sizes = [1, 40, 32], strides = [1, 1, 1]} : vector<100x40x128xf32> to vector<1x40x32xf32>
    %broadcast_in_dim3A_446 = vector.shape_cast %slice3A_445 : vector<1x40x32xf32> to vector<1x1x40x32xf32>
    %reshape3A_447 = vector.shape_cast %dot_general3A_444 : vector<80x32xf32> to vector<1x2x40x32xf32>
    %add3A_448 = vector.broadcast %broadcast_in_dim3A_446 : vector<1x1x40x32xf32> to vector<1x2x40x32xf32>
    %add3A_449 = arith.addf %add3A_448, %reshape3A_447 : vector<1x2x40x32xf32>
    %logistic3A_450 = arith.negf %add3A_449 : vector<1x2x40x32xf32>
    %logistic3A_451 = math.exp %logistic3A_450 : vector<1x2x40x32xf32>
    %logistic3A_452 = arith.constant 1.000000e+00 : f32
    %logistic3A_453 = vector.broadcast %logistic3A_452 : f32 to vector<1x2x40x32xf32>
    %logistic3A_454 = arith.addf %logistic3A_453, %logistic3A_451 : vector<1x2x40x32xf32>
    %logistic3A_455 = arith.divf %logistic3A_453, %logistic3A_454 : vector<1x2x40x32xf32>
    %reshape3A_456 = vector.shape_cast %get3A_408 : vector<2x40x32xf32> to vector<1x2x40x32xf32>
    %mul3A_457 = arith.mulf %logistic3A_455, %reshape3A_456 : vector<1x2x40x32xf32>
    %reduce_sum3A_458 = arith.constant dense<0.000000e+00> : vector<1x40x32xf32>
    %reduce_sum3A_459 = vector.multi_reduction <add>, %mul3A_457, %reduce_sum3A_458 [1] : vector<1x2x40x32xf32> to vector<1x40x32xf32>
    %add3A_460 = arith.addf %mul3A_437, %reduce_sum3A_459 : vector<1x40x32xf32>
    %tanh3A_461 = math.tanh %add3A_460 : vector<1x40x32xf32>
    %mul3A_462 = arith.mulf %logistic3A_434, %tanh3A_461 : vector<1x40x32xf32>
    %swap3A_463 = arith.constant 0 : index
    %swap3A_464 = arith.constant 0 : index
    %swap3A_465 = arith.constant 0 : index
    %swap3A_466 = vector.load %arg14[%swap3A_463, %swap3A_464, %swap3A_465] : memref<104x40x32xf32, #tpu.memory_space<vmem>>, vector<1x40x32xf32>
    tpu.vector_store %arg14[%swap3A_463, %swap3A_464, %swap3A_465], %add3A_460 {strides = array<i32>} : memref<104x40x32xf32, #tpu.memory_space<vmem>>, vector<1x40x32xf32>,
    %swap3A_467 = arith.constant 0 : index
    %swap3A_468 = arith.constant 0 : index
    %swap3A_469 = arith.constant 0 : index
    %swap3A_470 = vector.load %arg13[%swap3A_467, %swap3A_468, %swap3A_469] : memref<104x40x32xf32, #tpu.memory_space<vmem>>, vector<1x40x32xf32>
    tpu.vector_store %arg13[%swap3A_467, %swap3A_468, %swap3A_469], %mul3A_462 {strides = array<i32>} : memref<104x40x32xf32, #tpu.memory_space<vmem>>, vector<1x40x32xf32>,
    %get3A_471 = arith.constant 0 : index
    %get3A_472 = arith.constant 0 : index
    %get3A_473 = arith.constant 0 : index
    %get3A_474 = vector.load %arg13[%get3A_471, %get3A_472, %get3A_473] : memref<104x40x32xf32, #tpu.memory_space<vmem>>, vector<100x40x32xf32>
    %reduce_sum3A_475 = arith.constant dense<0.000000e+00> : vector<40x32xf32>
    %reduce_sum3A_476 = vector.multi_reduction <add>, %get3A_474, %reduce_sum3A_475 [0] : vector<100x40x32xf32> to vector<40x32xf32>
    %mul3A_477 = arith.constant 0.00999999977 : f32
    %mul3A_478 = vector.broadcast %mul3A_477 : f32 to vector<40x32xf32>
    %mul3A_479 = arith.mulf %reduce_sum3A_476, %mul3A_478 : vector<40x32xf32>
    %max3A = arith.constant 0.000000e+00 : f32
    %max3A_480 = vector.broadcast %max3A : f32 to vector<40x32xf32>
    %max3A_481 = arith.maximumf %mul3A_479, %max3A_480 : vector<40x32xf32>
    %get3A_482 = arith.constant 0 : index
    %get3A_483 = arith.constant 0 : index
    %get3A_484 = vector.load %arg6[%get3A_482, %get3A_483] : memref<32x32xbf16, #tpu.memory_space<vmem>>, vector<32x32xbf16>
    %convert_element_type3A_485 = arith.truncf %max3A_481 : vector<40x32xf32> to vector<40x32xbf16>
    %dot_general3A_486 = arith.constant dense<0.000000e+00> : vector<40x32xf32>
    %dot_general3A_487 = tpu.matmul %convert_element_type3A_485, %get3A_484, %dot_general3A_486 {dimension_numbers = #tpu.dot_dimension_numbers<[1], [0], [0], [1], [0, 0, 1, 1], [], []>, transpose_lhs_hint = false} : vector<40x32xbf16>, vector<32x32xbf16>, vector<40x32xf32> -> vector<40x32xf32>
    %get3A_488 = arith.constant 0 : index
    %get3A_489 = arith.constant 0 : index
    %get3A_490 = vector.load %arg7[%get3A_488, %get3A_489] : memref<1x32xf32, #tpu.memory_space<vmem>>, vector<1x32xf32>
    %add3A_491 = vector.broadcast %get3A_490 : vector<1x32xf32> to vector<40x32xf32>
    %add3A_492 = arith.addf %dot_general3A_487, %add3A_491 : vector<40x32xf32>
    %max3A_493 = arith.constant 0.000000e+00 : f32
    %max3A_494 = vector.broadcast %max3A_493 : f32 to vector<40x32xf32>
    %max3A_495 = arith.maximumf %add3A_492, %max3A_494 : vector<40x32xf32>
    %get3A_496 = arith.constant 0 : index
    %get3A_497 = arith.constant 0 : index
    %get3A_498 = vector.load %arg8[%get3A_496, %get3A_497] : memref<32x32xbf16, #tpu.memory_space<vmem>>, vector<32x32xbf16>
    %convert_element_type3A_499 = arith.truncf %max3A_495 : vector<40x32xf32> to vector<40x32xbf16>
    %dot_general3A_500 = arith.constant dense<0.000000e+00> : vector<40x32xf32>
    %dot_general3A_501 = tpu.matmul %convert_element_type3A_499, %get3A_498, %dot_general3A_500 {dimension_numbers = #tpu.dot_dimension_numbers<[1], [0], [0], [1], [0, 0, 1, 1], [], []>, transpose_lhs_hint = false} : vector<40x32xbf16>, vector<32x32xbf16>, vector<40x32xf32> -> vector<40x32xf32>
    %get3A_502 = arith.constant 0 : index
    %get3A_503 = arith.constant 0 : index
    %get3A_504 = vector.load %arg9[%get3A_502, %get3A_503] : memref<1x32xf32, #tpu.memory_space<vmem>>, vector<1x32xf32>
    %add3A_505 = vector.broadcast %get3A_504 : vector<1x32xf32> to vector<40x32xf32>
    %add3A_506 = arith.addf %dot_general3A_501, %add3A_505 : vector<40x32xf32>
    %max3A_507 = arith.constant 0.000000e+00 : f32
    %max3A_508 = vector.broadcast %max3A_507 : f32 to vector<40x32xf32>
    %max3A_509 = arith.maximumf %add3A_506, %max3A_508 : vector<40x32xf32>
    %convert_element_type3A_510 = arith.truncf %max3A_509 : vector<40x32xf32> to vector<40x32xbf16>
    %convert_element_type3A_511 = arith.extf %convert_element_type3A_510 : vector<40x32xbf16> to vector<40x32xf32>
    %get3A_512 = arith.constant 0 : index
    %get3A_513 = arith.constant 0 : index
    %get3A_514 = vector.load %arg10[%get3A_512, %get3A_513] : memref<1x32xbf16, #tpu.memory_space<vmem>>, vector<1x32xbf16>
    %convert_element_type3A_515 = arith.extf %get3A_514 : vector<1x32xbf16> to vector<1x32xf32>
    %mul3A_516 = vector.broadcast %convert_element_type3A_515 : vector<1x32xf32> to vector<40x32xf32>
    %mul3A_517 = arith.mulf %convert_element_type3A_511, %mul3A_516 : vector<40x32xf32>
    %reduce_sum3A_518 = arith.constant dense<0.000000e+00> : vector<40xf32>
    %reduce_sum3A_519 = vector.multi_reduction <add>, %mul3A_517, %reduce_sum3A_518 [1] : vector<40x32xf32> to vector<40xf32>
    %broadcast_in_dim3A_520 = vector.shape_cast %reduce_sum3A_519 : vector<40xf32> to vector<40x1xf32>
    %get3A_521 = arith.constant 0 : index
    %get3A_522 = arith.constant 0 : index
    %get3A_523 = vector.load %arg11[%get3A_521, %get3A_522] : memref<1x1xf32, #tpu.memory_space<vmem>>, vector<1x1xf32>
    %add3A_524 = vector.broadcast %get3A_523 : vector<1x1xf32> to vector<40x1xf32>
    %add3A_525 = arith.addf %broadcast_in_dim3A_520, %add3A_524 : vector<40x1xf32>
    %mul3A_526 = arith.constant 40 : i32
    %mul3A_527 = arith.muli %arg0, %mul3A_526 : i32
    %swap3A_528 = arith.index_cast %mul3A_527 : i32 to index
    %swap3A_529 = arith.constant 0 : index
    %swap3A_530 = vector.load %arg12[%swap3A_528, %swap3A_529] : memref<1000x1xf32, #tpu.memory_space<vmem>>, vector<40x1xf32>
    tpu.vector_store %arg12[%swap3A_528, %swap3A_529], %add3A_525 {strides = array<i32>} : memref<1000x1xf32, #tpu.memory_space<vmem>>, vector<40x1xf32>,
    return
  }
  func.func @transform_0(%arg0: i32) -> (i32, i32, i32) {
    %c0_i32 = arith.constant 0 : i32
    %c0_i32_0 = arith.constant 0 : i32
    %c0_i32_1 = arith.constant 0 : i32
    return %c0_i32, %arg0, %c0_i32_0 : i32, i32, i32
  }
  func.func @transform_1(%arg0: i32) -> (i32, i32) {
    %c0_i32 = arith.constant 0 : i32
    %c0_i32_0 = arith.constant 0 : i32
    %c0_i32_1 = arith.constant 0 : i32
    return %c0_i32, %c0_i32_0 : i32, i32
  }
  func.func @transform_2(%arg0: i32) -> (i32, i32) {
    %c0_i32 = arith.constant 0 : i32
    %c0_i32_0 = arith.constant 0 : i32
    %c0_i32_1 = arith.constant 0 : i32
    return %c0_i32, %c0_i32_0 : i32, i32
  }
  func.func @transform_3(%arg0: i32) -> (i32, i32) {
    %c0_i32 = arith.constant 0 : i32
    %c0_i32_0 = arith.constant 0 : i32
    %c0_i32_1 = arith.constant 0 : i32
    return %c0_i32, %c0_i32_0 : i32, i32
  }
  func.func @transform_4(%arg0: i32) -> (i32, i32) {
    %c0_i32 = arith.constant 0 : i32
    %c0_i32_0 = arith.constant 0 : i32
    %c0_i32_1 = arith.constant 0 : i32
    return %c0_i32, %c0_i32_0 : i32, i32
  }
  func.func @transform_5(%arg0: i32) -> (i32, i32) {
    %c0_i32 = arith.constant 0 : i32
    %c0_i32_0 = arith.constant 0 : i32
    %c0_i32_1 = arith.constant 0 : i32
    return %c0_i32, %c0_i32_0 : i32, i32
  }
  func.func @transform_6(%arg0: i32) -> (i32, i32) {
    %c0_i32 = arith.constant 0 : i32
    %c0_i32_0 = arith.constant 0 : i32
    %c0_i32_1 = arith.constant 0 : i32
    return %c0_i32, %c0_i32_0 : i32, i32
  }
  func.func @transform_7(%arg0: i32) -> (i32, i32) {
    %c0_i32 = arith.constant 0 : i32
    %c0_i32_0 = arith.constant 0 : i32
    %c0_i32_1 = arith.constant 0 : i32
    return %c0_i32, %c0_i32_0 : i32, i32
  }
  func.func @transform_8(%arg0: i32) -> (i32, i32) {
    %c0_i32 = arith.constant 0 : i32
    %c0_i32_0 = arith.constant 0 : i32
    %c0_i32_1 = arith.constant 0 : i32
    return %c0_i32, %c0_i32_0 : i32, i32
  }
  func.func @transform_9(%arg0: i32) -> (i32, i32) {
    %c0_i32 = arith.constant 0 : i32
    %c0_i32_0 = arith.constant 0 : i32
    %c0_i32_1 = arith.constant 0 : i32
    return %c0_i32, %c0_i32_0 : i32, i32
  }
  func.func @transform_10(%arg0: i32) -> (i32, i32) {
    %c0_i32 = arith.constant 0 : i32
    %c0_i32_0 = arith.constant 0 : i32
    %c0_i32_1 = arith.constant 0 : i32
    return %c0_i32, %c0_i32_0 : i32, i32
  }
  func.func @transform_11(%arg0: i32) -> (i32, i32) {
    %c0_i32 = arith.constant 0 : i32
    %c0_i32_0 = arith.constant 0 : i32
    %c0_i32_1 = arith.constant 0 : i32
    return %c0_i32, %c0_i32_0 : i32, i32
  }
}

</mosaic_0001>

<sc_bundles>
// kernel: sparse-core-data-format-call.cloned.1.call-start
scs
called_computation_lowered:
.L_overlay_start_0:
0x0: {  	s1 =	sld [smem:$0x3FD9]  }
0x1: {  	s2 =	sld [smem:$0x3FFE];
	_ =	sdelay $0x1  }
0x2: {  	s3 =	srdreg.scid  }
0x3: {  	s0 =	sand.u32 $0x1, s3  }
0x4: {  	s17 =	sshll.u32 s0, $0xA;
	s1 =	sadd.s32 s2, s1  }
0x5: {  	s1 =	sadd.s32 s1, s17  }
0x6: {  	[smem:$0x3FBB] =	sst s1  }
0x7: {  	_ = 	snop  }
0x8: {  	(tm) =	ssettm $0x1  }
0x9: {  	s18 =	sld [smem:$0x3FFB];
	_ =	sdelay $0x3  }
0xa: {  	_ =	strace s18  }
0xb: {  	s1 =	sld [smem:$0x3FFC];
	_ =	sdelay $0x3  }
0xc: {  	_ =	strace s1  }
0xd: {  	s1 =	sld [smem:$0x3FFD];
	_ =	sdelay $0x3  }
0xe: {  	_ =	strace s1  }
0xf: {  	_ =	strace $0x8FFFFFFF  }
0x10: {  	s19 =	sld [smem:$0x3FDB];
	_ =	sdelay $0x1  }
0x11: {  	s20 =	simm.s32 $_scs_section_size  }
0x12: {  	s4 =	simm.s32 $_size__tile_overlayer_lowered;
	s5 =	simm.s32 $_tile_overlayer_lowered  }
0x13: {  	s23 =	simm.s32 $0x1BFF;
	s22 =	sshll.u32 s5, $0x1;
	s1 =	sadd.s32 s20, s19  }
0x14: {  	s6 =	simm.s32 $0x0;
	s21 =	sshll.u32 s4, $0x1;
	s4 =	sadd.s32 s22, s1  }
0x15: {  	[timem:s6], [sflag:s23] =	dma.local [hbm:s4], s21  }
0x16: {  	_ =	swait.ge [sflag:s23], s21  }
0x17: {  	s2 =	ssub.s32 $0x0, s21;
	[sflag:s23] =	ssyncset.done $0x0  }
0x18: {  	[sflag:s23] =	ssyncadd.s32 s2;
	_ =	sdelay $0x1  }
0x19: {  	s24 =	simm.s32 $0x1B8B  }
0x1a: {  	_ =	swait.ge [sflag:s24], $0x1  }
0x1b: {  	[sflag:s24] =	ssyncset.done $0x0  }
0x1c: {  	s26 =	simm.s32 $0x1B8E;
	s25 =	sld [smem:$0x3FFE];
	[sflag:s24] =	ssyncadd.s32 $0xFFFFFFFF  }
0x1d: {  	s27 =	simm.s32 $execute0_lowered;
	[smem:$0x3FD2] =	sst s26  }
0x1e: {  	s4 =	sshll.u32 s27, $0x1;
	_ =	strace $0x80000046;
	[dreg:$0x1] =	wrdreg $0xFFFFFFFF  }
0x1f: {  	s28 =	simm.s32 $_size_execute0_lowered;
	s1 =	sadd.s32 s1, s4;
	[dreg:$0x0] =	wrdreg $0x0  }
0x20: {  	s4 =	sshll.u32 s28, $0x1;
	[dreg:$0x2] =	wrdreg s1  }
0x21: {  	[dreg:$0x3] =	wrdreg s4  }
0x22: {  	[dreg:$0x4] =	wrdreg $0xC0  }
0x23: {  	_ =	task [dreg:s6], $0x5FFFF  }
0x24: {  	[dreg:$0x1] =	wrdreg $0xFFFFFFFF  }
0x25: {  	[dreg:$0x0] =	wrdreg $0x60  }
0x26: {  	[dreg:$0x2] =	wrdreg s25  }
0x27: {  	[dreg:$0x3] =	wrdreg $0x9  }
0x28: {  	_ =	task.clear_ibuf [dreg:s6], $0x4FFFF;
	_ =	strace $0x90000046  }
0x29: {  	s29 =	simm.s32 $0x9;
	_ =	strace $0x80000048  }
0x2a: {  	_ =	swait.ge [sflag:s29], $0x1  }
0x2b: {  	[sflag:s29] =	ssyncadd.s32 $0xFFFFFFFF  }
0x2c: {  	_ =	strace $0x90000048  }
0x2d: {  	_ =	sfence  }
0x2e: {  	s30 =	sld [smem:$0x0];
	_ =	sdelay $0x2  }
0x2f: {  	s31 =	sshll.u32 s3, $0xD;
	s3 =	sshrl.u32 s3, $0x2  }
0x30: {  	s2 =	sand.u32 $0x4000, s31;
	s1 =	sadd.s32 s3, s30  }
0x31: {  	s0 =	sor.u32 s2, s0;
	s1 =	sshll.u32 s1, $0x11  }
0x32: {  	s0 =	sor.u32 s1, s0  }
0x33: {  	s0 =	sadd.s32 $0x8F2B, s0  }
0x34: {  	[sflag:s0] =	ssyncadd.remote.s32 $0x1  }
0x35: {  	_ =	sfence.sel $0xFFFF  }
0x36: {  	[dreg:$0x0] =	wrdreg $0xFFFFFFFF;
	(pc) =	sbr.abs _section_cstart, $3  }
0x37: {  	[dreg:$0x1] =	wrdreg $0xFFFFFFFF  }
0x38: {  	_ =	task.clear_ibuf [dreg:s6], $0x2FFFF;
	_ =	strace $0x9FFFFFFF  }
0x39: {  	(tm) =	ssettm $0x7FFFFFFF  }
tec
execute0_lowered:
.L_overlay_start_1:
0x0: {  	(tag) =	ssettag $0x1  }
0x1: {  	s0 =	srdreg.scid  }
0x2: {  	s3 =	rddreg [dreg:$0x0];
	s1 =	stileid.u32;
	s5 =	simm.s32 $0x1  }
0x3: {  	s7 =	simm.s32 $0x2;
	p0 =	por $0x0, $0x0;
	s14 =	simm.s32 $0x0  }
0x4: {  	s13 =	simm.s32 $0x0;
	s9 =	simm.s32 $0x0;
	s10 =	simm.s32 $0x0  }
0x5: {  	s8 =	simm.s32 $0x0;
	s21 =	simm.s32 $0x0;
	s2 =	sshll.u32 s0, $0x4  }
.Ltmp0:
0x6: {  	s0 =	rddreg [dreg:$0x1];
	_ =	strace $0x80000047;
	(pc) =	sbr.rel .LBB1_1-.Ltmp0, $4  }
0x7: {  	s6 =	sshll.u32 s1, $0x7;
	s4 =	sand.u32 $0x10, s2;
	s2 =	sadd.s32 $0x1600, s3  }
0x8: {  	s3 =	sadd.s32 $0x197A00, s3;
	[sflag:s5] =	ssyncpa.u1 $0x0;
	s4 =	sor.u32 s1, s4  }
0x9: {  	s6 =	sand.u32 $0x380, s6;
	[sflag:s7] =	ssyncpa.u1 $0x0;
	s4 =	sshrl.u32 s4, $0x3  }
0xa: {  	s7 =	simm.s32 $0x0;
	s12 =	smov.u32 s6;
	s11 =	smov.u32 s4  }
.LBB1_11:
0xb: {  	s18 =	sand.u32 $0x1FFFFFF, s10;
	p1 =	sgt.s32 s9, $0x63;
	s19 =	smov.u32 s9  }
0xc: {  	s20 =	smulhi.u32 $0x20C49BB, s18;
	s19 =	simm.s32 @!p1 $0x63  }
0xd: {  	s15 =	sadd.s32 s15, s19  }
0xe: {  	s27 =	sshrl.u32 s20, $0x3;
	s28 =	sadd.s32 $0xFFFFFF9D, s15  }
0xf: {  	s15 =	ssub.s32 $0x64, s15;
	s19 =	smul.u32 $0x3E8, s27;
	p1 =	sgt.s32 s28, $0x0  }
0x10: {  	s29 =	smul.u32 $0x3E80, s9;
	s15 =	simm.s32 @p1 $0x0  }
0x11: {  	s18 =	ssub.s32 s18, s19;
	s15 =	smul.u32 s15, s16  }
0x12: {  	s31 =	sadd.s32 s3, s29;
	s30 =	sshll.u32 s18, $0x4  }
0x13: {  	s17 =	sor.u32 $0x8000, s17;
	s15 =	sand.u32 $0x3FFFFF80, s15;
	s16 =	sadd.s32 s30, s31  }
0x14: {  	[hbm4b:s16+s7] =	stream.linear.scatter [tilespmem:s17], [sflag:$0x2], s15, $0x38;
	[tilespmem:$0x10000] =	vst v63  }
.LBB1_12:
0x15: {  	p1 =	slt.u32 s8, $0x2  }
0x16: {  	p2 =	sgt.s32 @!p1 s14, $0x63  }
0x17: {  	s15 =	smov.u32 s14;
	s16 =	sshra.s32 @!p1 s14, $0x1F;
	p2 =	por !p2, p1  }
0x18: {  	s17 =	sshra.s32 @!p1 s13, $0x1F;
	s15 =	simm.s32 @p2 $0x63;
	p2 =	sgt.s32 @!p1 s13, $0x368  }
0x19: {  	s14 =	sand.u32 @!p1 s16, s14;
	s16 =	smov.u32 s13;
	p2 =	por !p2, p1  }
0x1a: {  	s13 =	sand.u32 @!p1 s17, s13;
	s16 =	simm.s32 @p2 $0x368  }
0x1b: {  	s17 =	smov.u32 s12;
	s14 =	ssub.s32 @!p1 s15, s14;
	s13 =	ssub.s32 @!p1 s16, s13  }
0x1c: {  	s15 =	sadd.s32 @!p1 $0xFFFFFF9D, s14;
	s14 =	ssub.s32 @!p1 $0x64, s14;
	s13 =	sadd.s32 @!p1 $0xFFFFFC98, s13  }
0x1d: {  	p2 =	sgt.s32 @!p1 s15, $0x0;
	p3 =	sgt.s32 @!p1 s13, $0x7F;
	s13 =	sshll.u32 @!p1 s13, $0x7  }
0x1e: {  	p2 =	por !p2, p1;
	s13 =	ssub.s32 @!p1 $0x4000, s13;
	p3 =	por !p3, p1  }
0x1f: {  	s15 =	sadd.s32 $0x4, s11;
	s14 =	simm.s32 @!p2 $0x0;
	s13 =	simm.s32 @!p3 $0x0  }
0x20: {  	p2 =	sgt.s32 s15, $0x63;
	s13 =	smul.u32 @!p1 s14, s13;
	s14 =	sadd.s32 $0x400, s12  }
0x21: {  	s17 =	smov.u32 @p2 s14  }
0x22: {  	s8 =	sadd.s32 $0x1, s8;
	s15 =	smov.u32 @p2 s4;
	p2 =	sgt.s32 s17, $0x3E7  }
0x23: {  	s17 =	smov.u32 @p2 s6;
	p2 =	sne.s32 s8, $0x1B  }
.Ltmp1:
0x24: {  	p0 =	por !p0, !p0;
	(pc) =	sbr.rel @!p2 .LBB1_13-.Ltmp1, $4  }
0x25: {  	s16 =	simm.s32 @!p1 $0x2;
	s14 =	smov.u32 s9;
	s13 =	sand.u32 @!p1 $0x3FFFFF80, s13  }
0x26: {  	s9 =	smov.u32 s11;
	s11 =	smov.u32 s15;
	_ =	swait.ge @!p1 [sflag:s16], s13  }
0x27: {  	s18 =	ssub.s32 @!p1 $0x0, s13;
	s13 =	smov.u32 s10;
	[sflag:s16] =	ssyncset.done @!p1 $0x0  }
0x28: {  	s10 =	smov.u32 s12;
	s12 =	smov.u32 s17;
	[sflag:s16] =	ssyncadd.s32 @!p1 s18  }
.LBB1_1:
0x29: {  	p1 =	sgt.u32 s8, $0x18  }
0x2a: {  	s16 =	smov.u32 s12;
	p2 =	sgt.s32 @!p1 s12, $0x368;
	s15 =	sand.u32 @!p1 $0x1FFFFFF, s11  }
0x2b: {  	s17 =	sshra.s32 @!p1 s12, $0x1F;
	s18 =	sshra.s32 @!p1 s11, $0x1F;
	p2 =	por !p2, p1  }
0x2c: {  	s17 =	sand.u32 @!p1 s17, s12;
	s16 =	simm.s32 @p2 $0x368;
	p2 =	sgt.s32 @!p1 s11, $0x67  }
0x2d: {  	s16 =	ssub.s32 @!p1 s16, s17;
	p2 =	por !p2, p1;
	s17 =	smov.u32 s11  }
0x2e: {  	s19 =	smulhi.u32 @!p1 $0x2762763, s15;
	s18 =	sand.u32 @!p1 s18, s11;
	s17 =	simm.s32 @p2 $0x67  }
0x2f: {  	s16 =	sadd.s32 @!p1 $0xFFFFFC98, s16;
	s17 =	ssub.s32 @!p1 s17, s18  }
0x30: {  	s18 =	smul.u32 @!p1 $0x68, s19;
	p2 =	sgt.s32 @!p1 s16, $0x7F;
	s19 =	sadd.s32 @!p1 $0xFFFFFF99, s17  }
0x31: {  	s16 =	sshll.u32 @!p1 s16, $0x7;
	s17 =	ssub.s32 @!p1 $0x68, s17;
	p3 =	sgt.s32 @!p1 s19, $0x0  }
0x32: {  	s16 =	ssub.s32 @!p1 $0x4000, s16;
	p2 =	por !p2, p1;
	p3 =	por !p3, p1  }
0x33: {  	s16 =	simm.s32 @!p2 $0x0;
	s17 =	simm.s32 @!p3 $0x0  }
0x34: {  	s19 =	sxor.u32 @!p1 $0xFFFFFFFF, s8;
	s16 =	smul.u32 @!p1 s17, s16  }
0x35: {  	s15 =	ssub.s32 @!p1 s15, s18;
	s17 =	sshll.u32 @!p1 s19, $0xE;
	s19 =	smul.u32 @!p1 $0x680, s12  }
0x36: {  	s15 =	sshll.u32 @!p1 s15, $0x4  }
0x37: {  	s17 =	sand.u32 @!p1 $0x4000, s17;
	s16 =	sand.u32 @!p1 $0x3FFFFF80, s16;
	s18 =	sadd.s32 @!p1 s2, s19  }
0x38: {  	s19 =	simm.s32 @!p1 $0x3400;
	s15 =	sadd.s32 @!p1 s15, s18;
	s18 =	simm.s32 @!p1 $0x80  }
0x39: {  	[tilespmem:s17], [sflag:$0x1] =	stream.strided.gather @!p1 [hbm4b:s15+s18], s16, s19, s18, $0x38;
	[tilespmem:$0x10000] =	vst v63  }
0x3a: {  	p1 =	seq.s32 s8, $0x0  }
0x3b: {  	p2 =	seq.s32 @!p1 s8, $0x1A  }
0x3c: {  	p1 =	por p1, p2  }
.Ltmp2:
0x3d: {  	_ = 	snop;
	(pc) =	sbr.rel @p1 .LBB1_12-.Ltmp2, $1  }
0x3e: {  	_ =	sdelay $0x3  }
0x3f: {  	p1 =	sgt.s32 s10, $0x368;
	s15 =	smov.u32 s10;
	s16 =	sshra.s32 s10, $0x1F  }
0x40: {  	s17 =	ssub.s32 $0x0, s9;
	s15 =	simm.s32 @!p1 $0x368;
	s16 =	sand.u32 s16, s10  }
0x41: {  	s18 =	sshra.s32 s9, $0x1F;
	s19 =	smov.u32 s9;
	s16 =	ssub.s32 s15, s16  }
0x42: {  	p1 =	sgt.s32 s9, $0x67;
	s15 =	sand.u32 s17, s18;
	s16 =	sadd.s32 $0xFFFFFC98, s16  }
0x43: {  	s19 =	simm.s32 @!p1 $0x67;
	p1 =	sgt.s32 s16, $0x7F;
	s16 =	sshll.u32 s16, $0x7  }
0x44: {  	s18 =	sadd.s32 $0x80, s10;
	s17 =	sadd.s32 s15, s19;
	s16 =	ssub.s32 $0x4000, s16  }
0x45: {  	s19 =	sadd.s32 $0x1, s9;
	s16 =	simm.s32 @p1 $0x0;
	p1 =	slt.s32 s18, $0x3E8  }
0x46: {  	s30 =	sadd.s32 $0xFFFFFF99, s17;
	s18 =	simm.s32 @!p1 $0x3E8;
	p1 =	slt.s32 s19, $0x64  }
0x47: {  	s17 =	ssub.s32 $0x68, s17;
	s18 =	ssub.s32 s18, s10;
	s19 =	simm.s32 @!p1 $0x64  }
0x48: {  	p2 =	sgt.s32 s30, $0x0;
	s19 =	ssub.s32 s19, s9;
	p1 =	slt.s32 s18, $0x1  }
0x49: {  	s17 =	simm.s32 @p2 $0x0;
	p2 =	slt.s32 @!p1 s19, $0x1  }
0x4a: {  	s17 =	smul.u32 s17, s16;
	p1 =	por p1, p2  }
.Ltmp3:
0x4b: {  	_ = 	snop;
	(pc) =	sbr.rel @p1 .LBB1_11-.Ltmp3, $4  }
0x4c: {  	s17 =	sand.u32 $0x3FFFFF80, s17  }
0x4d: {  	_ =	swait.ge [sflag:s5], s17  }
0x4e: {  	s31 =	sshll.u32 s8, $0xE;
	s20 =	ssub.s32 $0x0, s17;
	[sflag:s5] =	ssyncset.done $0x0  }
0x4f: {  	s17 =	sand.u32 $0x4000, s31;
	[sflag:s5] =	ssyncadd.s32 s20  }
0x50: {  	s20 =	simm.s32 $0x1  }
0x51: {  	s20 =	simm.s32 @!p0 $0x0  }
0x52: {  	s20 =	sshll.u32 s20, $0x10  }
0x53: {  	s20 =	sshrl.u32 s20, $0x2  }
0x54: {  	s22 =	simm.s32 $0x0;
	s23 =	simm.s32 $0x0;
	s20 =	sadd.s32 $0x8040, s20  }
.LBB1_4:
0x55: {  	s25 =	sshll.u32 s23, $0x7  }
0x56: {  	p2 =	sne.s32 s19, $0x1;
	s25 =	sadd.s32 s25, s17  }
.Ltmp4:
0x57: {  	v0 =	vmov s25;
	(pc) =	sbr.rel @!p2 .LBB1_5-.Ltmp4, $3  }
0x58: {  	_ =	sdelay $0x1  }
0x59: {  	s24 =	sand.u32 $0x3F80, s22;
	s26 =	sand.u32 $0x380, s21  }
0x5a: {  	p1 =	por $0x0, $0x0;
	s24 =	sadd.s32 s24, s20;
	s25 =	sadd.s32 $0xFFFFFFFF, s19  }
0x5b: {  	_ =	sdelay $0x3  }
0x5c: {  	v6 =	vld.idx.msk [tilespmem:v0+s26+$0x70 ss:$0x1], $0xffff  }
0x5d: {  	v7 =	vld.idx.msk [tilespmem:v0+s26+$0x0 ss:$0x1], $0xffff  }
0x5e: {  	v1 =	vld.idx.msk [tilespmem:v0+s26+$0x10 ss:$0x1], $0xffff;
	p2 =	sne.s32 s25, $0x1  }
.Ltmp5:
0x5f: {  	v2 =	vld.idx.msk [tilespmem:v0+s26+$0x20 ss:$0x1], $0xffff;
	(pc) =	sbr.rel @!p2 .LBB1_7-.Ltmp5, $4  }
0x60: {  	v3 =	vld.idx.msk [tilespmem:v0+s26+$0x30 ss:$0x1], $0xffff  }
0x61: {  	v4 =	vld.idx.msk [tilespmem:v0+s26+$0x40 ss:$0x1], $0xffff  }
0x62: {  	v5 =	vld.idx.msk [tilespmem:v0+s26+$0x50 ss:$0x1], $0xffff;
	s28 =	simm.s32 $0x80;
	s29 =	sadd.s32 $0xFFFFFFFF, s25;
	[tilespmem:s24+$0x30] =	vst v6  }
0x63: {  	p1 =	por $0x1, $0x1;
	s25 =	smov.u32 s24;
	s27 =	sand.u32 $0x380, s28;
	[tilespmem:s24+$0xFFFFFFC0] =	vst v7;
	v6 =	vld.idx.msk [tilespmem:v0+s26+$0x60 ss:$0x1], $0xffff  }
.LBB1_8:
0x64: {  	p2 =	sne.s32 s29, $0x1;
	v7 =	vld.idx.msk [tilespmem:v0+s27+$0x70 ss:$0x1], $0xffff;
	[tilespmem:s25+$0xFFFFFFD0] =	vst v1  }
0x65: {  	v8 =	vld.idx.msk [tilespmem:v0+s27+$0x0 ss:$0x1], $0xffff;
	[tilespmem:s25+$0xFFFFFFE0] =	vst v2  }
0x66: {  	v1 =	vld.idx.msk [tilespmem:v0+s27+$0x10 ss:$0x1], $0xffff;
	[tilespmem:s25+$0xFFFFFFF0] =	vst v3  }
.Ltmp6:
0x67: {  	v2 =	vld.idx.msk [tilespmem:v0+s27+$0x20 ss:$0x1], $0xffff;
	[tilespmem:s25+$0x0] =	vst v4;
	(pc) =	sbr.rel @p2 .LBB1_8-.Ltmp6, $4  }
0x68: {  	v3 =	vld.idx.msk [tilespmem:v0+s27+$0x30 ss:$0x1], $0xffff;
	[tilespmem:s25+$0x10] =	vst v5  }
0x69: {  	v4 =	vld.idx.msk [tilespmem:v0+s27+$0x40 ss:$0x1], $0xffff;
	[tilespmem:s25+$0x20] =	vst v6;
	s25 =	sadd.s32 $0x4000, s25  }
0x6a: {  	s28 =	sadd.s32 $0x80, s28;
	v5 =	vld.idx.msk [tilespmem:v0+s27+$0x50 ss:$0x1], $0xffff;
	[tilespmem:s25+$0x30] =	vst v7  }
0x6b: {  	s29 =	sadd.s32 $0xFFFFFFFF, s29;
	[tilespmem:s25+$0xFFFFFFC0] =	vst v8;
	v6 =	vld.idx.msk [tilespmem:v0+s27+$0x60 ss:$0x1], $0xffff;
	s27 =	sand.u32 $0x380, s28  }
0x6c: {  	s26 =	smov.u32 s27  }
.LBB1_10:
0x6d: {  	_ =	sdelay $0x2  }
0x6e: {  	[tilespmem:s25+$0xFFFFFFD0] =	vst @p1 v1  }
0x6f: {  	v56 =	vld.idx.msk [tilespmem:v0+s26+$0x70 ss:$0x1], $0xffff;
	[tilespmem:s25+$0xFFFFFFE0] =	vst @p1 v2  }
0x70: {  	v57 =	vld.idx.msk [tilespmem:v0+s26+$0x0 ss:$0x1], $0xffff;
	[tilespmem:s25+$0xFFFFFFF0] =	vst @p1 v3  }
0x71: {  	v58 =	vld.idx.msk [tilespmem:v0+s26+$0x10 ss:$0x1], $0xffff;
	[tilespmem:s25+$0x0] =	vst @p1 v4  }
0x72: {  	v59 =	vld.idx.msk [tilespmem:v0+s26+$0x20 ss:$0x1], $0xffff;
	s27 =	sadd.s32 @p1 $0x4000, s25;
	[tilespmem:s25+$0x10] =	vst @p1 v5  }
0x73: {  	v60 =	vld.idx.msk [tilespmem:v0+s26+$0x30 ss:$0x1], $0xffff;
	s24 =	smov.u32 @p1 s27;
	[tilespmem:s25+$0x20] =	vst @p1 v6  }
0x74: {  	v61 =	vld.idx.msk [tilespmem:v0+s26+$0x40 ss:$0x1], $0xffff;
	[tilespmem:s24+$0x30] =	vst v56  }
0x75: {  	v62 =	vld.idx.msk [tilespmem:v0+s26+$0x50 ss:$0x1], $0xffff;
	s23 =	sadd.s32 $0x1, s23;
	[tilespmem:s24+$0xFFFFFFC0] =	vst v57  }
0x76: {  	v63 =	vld.idx.msk [tilespmem:v0+s26+$0x60 ss:$0x1], $0xffff;
	p1 =	sne.s32 s23, s18;
	[tilespmem:s24+$0xFFFFFFD0] =	vst v58  }
.Ltmp7:
0x77: {  	[tilespmem:s24+$0xFFFFFFE0] =	vst v59;
	(pc) =	sbr.rel @p1 .LBB1_4-.Ltmp7, $4  }
.Ltmp8:
0x78: {  	[tilespmem:s24+$0xFFFFFFF0] =	vst v60;
	(pc) =	sbr.rel @!p1 .LBB1_11-.Ltmp8, $4  }
0x79: {  	[tilespmem:s24+$0x0] =	vst v61  }
0x7a: {  	[tilespmem:s24+$0x10] =	vst v62  }
0x7b: {  	s22 =	sadd.s32 $0x80, s22;
	[tilespmem:s24+$0x20] =	vst v63  }
0x7c: {  	_ = 	snop  }
.LBB1_5:
.Ltmp9:
0x7d: {  	(pc) =	sbr.rel .LBB1_10-.Ltmp9, $2  }
0x7e: {  	_ =	sdelay $0x2  }
0x7f: {  	s25 =	smov.u32 s24  }
.LBB1_7:
.Ltmp10:
0x80: {  	(pc) =	sbr.rel .LBB1_10-.Ltmp10, $2  }
0x81: {  	_ =	sdelay $0x2  }
0x82: {  	s26 =	smov.u32 s27;
	s25 =	smov.u32 s24  }
.LBB1_13:
0x83: {  	_ =	sfence.sel $0x180000  }
0x84: {  	s2 =	simm.s32 $0x1;
	[bflag:$0x0] =	sbarrier.arrive $0xFFFF  }
0x85: {  	s31 =	simm.s32 $0x2;
	[sflag:s2] =	ssyncpa.u1 $0x1  }
0x86: {  	[sflag:s31] =	ssyncpa.u1 $0x1  }
0x87: {  	p0 =	sne.s32 s1, $0x0;
	_ =	strace $0x90000047  }
0x88: {  	s0 =	sadd.s32 @!p0 $0x100000, s0;
	[bflag:$0x2] =	sbarrier.arrive $0xFFFF  }
0x89: {  	[sflag:s0] =	ssyncadd.tile.s32 @!p0 $0x1;
	_ =	shalt  }
.Lfunc_end1:
_tile_overlayer_lowered:
.L_overlay_start_2:
0x8a: {  	(tag) =	ssettag $0x2  }
0x8b: {  	s0 =	rddreg [dreg:$0x0];
	s2 =	stileid.u32  }
0x8c: {  	s1 =	rddreg [dreg:$0x1];
	p0 =	sne.s32 s2, $0x0  }
0x8d: {  	s3 =	rddreg [dreg:$0x2];
	[bflag:$0x3] =	sbarrier.arrive $0xFFFF;
	s2 =	simm.s32 @!p0 $0x1C01  }
0x8e: {  	[timem:s3], [sflag:s2] =	dma.local @!p0 [hbm:s0], s1  }
0x8f: {  	s0 =	simm.s32 @!p0 $0x1  }
0x90: {  	_ =	swait.ge @!p0 [sflag:s0], s1  }
0x91: {  	s1 =	ssub.s32 @!p0 $0x0, s1;
	[sflag:s0] =	ssyncset.done @!p0 $0x0  }
0x92: {  	[sflag:s0] =	ssyncadd.s32 @!p0 s1  }
0x93: {  	[bflag:$0x3] =	sbarrier.arrive $0xFFFF  }
0x94: {  	_ =	shalt  }

</sc_bundles>
